<compile_context>
chip_gen: v7x
topology: tpu7x:2x2x1
jax: 0.10.2.dev20260603
libtpu: 0.0.44.dev20260713+nightly
codegen_flags: <defaults>
</compile_context>

<pallas_src>
import jax
import jax.numpy as jnp
from jax.experimental import pallas as pl
from jax.experimental.pallas import tpu as pltpu

_NMS_THRESH = 0.3
_B = 1024


def _nms_block_kernel(x1_ref, y1_ref, x2_ref, y2_ref, ar_ref,
                      x1t_ref, y1t_ref, x2t_ref, y2t_ref, art_ref,
                      sup_ref, m_ref):
    nb = pl.num_programs(0)
    ib = pl.program_id(0)
    B = _B

    @pl.when(ib == 0)
    def _init():
        sup_ref[...] = jnp.zeros_like(sup_ref)

    base = ib * B
    px1 = x1t_ref[0]
    py1 = y1t_ref[0]
    px2 = x2t_ref[0]
    py2 = y2t_ref[0]
    pa = art_ref[0]

    def tile_cond(cbase):
        cx1 = x1_ref[:, pl.ds(cbase, B)]
        cy1 = y1_ref[:, pl.ds(cbase, B)]
        cx2 = x2_ref[:, pl.ds(cbase, B)]
        cy2 = y2_ref[:, pl.ds(cbase, B)]
        ca = ar_ref[:, pl.ds(cbase, B)]
        xx1 = jnp.maximum(px1, cx1)
        yy1 = jnp.maximum(py1, cy1)
        xx2 = jnp.minimum(px2, cx2)
        yy2 = jnp.minimum(py2, cy2)
        w = jnp.maximum(0.0, xx2 - xx1 + 1.0)
        h = jnp.maximum(0.0, yy2 - yy1 + 1.0)
        inter = w * h
        ovr = inter / (pa + ca - inter)
        return (ovr > _NMS_THRESH) | (pa == inter) | (ca == inter)

    cond = tile_cond(base)
    riota = jax.lax.broadcasted_iota(jnp.int32, (B, B), 0)
    ciota = jax.lax.broadcasted_iota(jnp.int32, (B, B), 1)
    m_ref[...] = jnp.where(cond & (ciota > riota), 1.0, 0.0)

    lane = jax.lax.broadcasted_iota(jnp.int32, (1, B), 1)
    G = 32

    def scan_group(g, supvec):
        i0 = g * G
        grp = m_ref[pl.ds(pl.multiple_of(i0, 8), G), :]
        winmask = (lane >= i0) & (lane < i0 + G)
        intra = jnp.max(jnp.where(winmask, grp, 0.0))
        swin = pltpu.roll(supvec, -i0, axis=1)[:, 0:G]

        def fast(swin):
            return jnp.where(swin > 0.0, 0.0, 1.0)

        def slow(swin):
            win = pltpu.roll(grp, -i0, axis=1)[:, 0:G]
            keeps = []
            for r in range(G):
                keep_r = jnp.where(swin[:, r:r + 1] > 0.0, 0.0, 1.0)
                keeps.append(keep_r)
                swin = jnp.maximum(swin, win[r:r + 1, :] * keep_r)
            return jnp.concatenate(keeps, axis=1)

        keeps = jax.lax.cond(intra > 0.0, slow, fast, swin)
        contrib = jax.lax.dot_general(
            keeps, grp, (((1,), (0,)), ((), ())),
            preferred_element_type=jnp.float32)
        return jnp.where(contrib > 0.0, 1.0, supvec)

    supvec = jax.lax.fori_loop(0, B // G, scan_group,
                               sup_ref[:, pl.ds(base, B)])
    sup_ref[:, pl.ds(base, B)] = supvec
    keep_vec = 1.0 - supvec

    def cross_step(kb, carry):
        cbase = kb * B
        condf = jnp.where(tile_cond(cbase), 1.0, 0.0)
        contrib = jax.lax.dot_general(
            keep_vec, condf, (((1,), (0,)), ((), ())),
            preferred_element_type=jnp.float32)
        cur = sup_ref[:, pl.ds(cbase, B)]
        sup_ref[:, pl.ds(cbase, B)] = jnp.where(contrib > 0.0, 1.0, cur)
        return carry

    jax.lax.fori_loop(ib + 1, nb, cross_step, 0)


def kernel(boxes, scores):
    n = boxes.shape[0]
    order = jnp.argsort(-scores)
    b = boxes[order]
    x1, y1, x2, y2 = b[:, 0], b[:, 1], b[:, 2], b[:, 3]
    areas = (x2 - x1 + 1.0) * (y2 - y1 + 1.0)

    nb = -(-n // _B)
    npad = nb * _B
    cols = [x1, y1, x2, y2, areas]
    cols = [jnp.pad(v, (0, npad - n)) for v in cols]
    flats = [v.reshape(1, npad) for v in cols]
    trans = [v.reshape(nb, _B, 1) for v in cols]

    sup = pl.pallas_call(
        _nms_block_kernel,
        grid=(nb,),
        in_specs=[pl.BlockSpec((1, npad), lambda i: (0, 0))] * 5
                 + [pl.BlockSpec((1, _B, 1), lambda i: (i, 0, 0))] * 5,
        out_specs=pl.BlockSpec((1, npad), lambda i: (0, 0)),
        out_shape=jax.ShapeDtypeStruct((1, npad), jnp.float32),
        scratch_shapes=[pltpu.VMEM((_B, _B), jnp.float32)],
        interpret=False,
    )(*flats, *trans)

    keep_sorted = sup[0, :n] == 0.0
    vals = jnp.where(keep_sorted, scores[order], 0.0)
    return jnp.zeros_like(scores).at[order].set(vals)

# --- scband reference (transcript-rebuilt; emitter-appended) ---
"""Pipeline reference for scband-cnn-58480274702719 (READ-ONLY COPY).

The authoritative reference and input builder live on the scoring server;
editing this copy changes nothing except your own understanding.
"""

import jax, jax.numpy as jnp
import numpy as np

N = 20000
NMS_THRESH = 0.3


def setup_inputs(seed: int = 0) -> dict:
    key = jax.random.key(seed)
    k1, k2, k3, k4 = jax.random.split(key, 4)
    x1 = jax.random.uniform(k1, (N,), minval=0.0, maxval=1024.0)
    y1 = jax.random.uniform(k2, (N,), minval=0.0, maxval=1024.0)
    wh = jax.random.uniform(k3, (N, 2), minval=4.0, maxval=64.0)
    boxes = jnp.stack([x1, y1, x1 + wh[:, 0], y1 + wh[:, 1]], axis=1).astype(jnp.float32)
    scores = jax.random.uniform(k4, (N,), dtype=jnp.float32)
    return {"boxes": boxes, "scores": scores}


def _nms_keep(boxes, scores, thresh):
    # Faithful port of the original numpy greedy nms() including the quirky
    # containment-removal logic (ovr forced to 1.0 where areas == inter).
    order = jnp.argsort(-scores)  # descending score order, like argsort()[::-1]
    b = boxes[order]
    x1, y1, x2, y2 = b[:, 0], b[:, 1], b[:, 2], b[:, 3]
    areas = (x2 - x1 + 1.0) * (y2 - y1 + 1.0)
    n = boxes.shape[0]
    idx = jnp.arange(n)

    def body(i, keep):
        xx1 = jnp.maximum(x1[i], x1)
        yy1 = jnp.maximum(y1[i], y1)
        xx2 = jnp.minimum(x2[i], x2)
        yy2 = jnp.minimum(y2[i], y2)
        w = jnp.maximum(0.0, xx2 - xx1 + 1.0)
        h = jnp.maximum(0.0, yy2 - yy1 + 1.0)
        inter = w * h
        ovr = inter / (areas[i] + areas - inter)
        ovr = jnp.where(areas[i] == inter, 1.0, ovr)  # remove_index_1
        ovr = jnp.where(areas == inter, 1.0, ovr)     # remove_index_2
        suppress = (ovr > thresh) & (idx > i)
        # only an un-suppressed pivot may suppress others
        return jnp.where(keep[i], keep & (~suppress), keep)

    keep_sorted = jax.lax.fori_loop(0, n, body, jnp.ones((n,), dtype=bool))
    # map keep mask back to original (unsorted) box order
    keep = jnp.zeros((n,), dtype=bool).at[order].set(keep_sorted)
    return keep


def reference(boxes, scores):
    keep = jax.jit(_nms_keep, static_argnums=2)(boxes, scores, NMS_THRESH)
    # kept detections: scores of surviving boxes, zero elsewhere
    return jnp.where(keep, scores, jnp.zeros_like(scores))

if __name__ == "__main__":
    import jax
    _d = setup_inputs()
    print(jax.jit(kernel)(*tuple(_d.values())))

</pallas_src>

<mosaic_0001>
module attributes {stable_mosaic.version = 14 : i64} {
  func.func @_nms_block_kernel(%arg0: i32, %arg1: memref<1x20480xf32, #tpu.memory_space<vmem>>, %arg2: memref<1x20480xf32, #tpu.memory_space<vmem>>, %arg3: memref<1x20480xf32, #tpu.memory_space<vmem>>, %arg4: memref<1x20480xf32, #tpu.memory_space<vmem>>, %arg5: memref<1x20480xf32, #tpu.memory_space<vmem>>, %arg6: memref<1x1024x1xf32, #tpu.memory_space<vmem>>, %arg7: memref<1x1024x1xf32, #tpu.memory_space<vmem>>, %arg8: memref<1x1024x1xf32, #tpu.memory_space<vmem>>, %arg9: memref<1x1024x1xf32, #tpu.memory_space<vmem>>, %arg10: memref<1x1024x1xf32, #tpu.memory_space<vmem>>, %arg11: memref<1x20480xf32, #tpu.memory_space<vmem>>, %arg12: memref<1024x1024xf32, #tpu.memory_space<vmem>>) attributes {dimension_semantics = [#tpu.dimension_semantics<arbitrary>], iteration_bounds = array<i64: 20>, scalar_prefetch = 0 : i64, scratch_operands = 1 : i64, tpu.core_type = #tpu.core_type<tc>, window_params = [{pipeline_mode = #tpu.pipeline_mode<synchronous>, transform_indices = @transform_0, window_bounds = array<i64: 1, 20480>}, {pipeline_mode = #tpu.pipeline_mode<synchronous>, transform_indices = @transform_1, window_bounds = array<i64: 1, 20480>}, {pipeline_mode = #tpu.pipeline_mode<synchronous>, transform_indices = @transform_2, window_bounds = array<i64: 1, 20480>}, {pipeline_mode = #tpu.pipeline_mode<synchronous>, transform_indices = @transform_3, window_bounds = array<i64: 1, 20480>}, {pipeline_mode = #tpu.pipeline_mode<synchronous>, transform_indices = @transform_4, window_bounds = array<i64: 1, 20480>}, {transform_indices = @transform_5, window_bounds = array<i64: 1, 1024, 1>}, {transform_indices = @transform_6, window_bounds = array<i64: 1, 1024, 1>}, {transform_indices = @transform_7, window_bounds = array<i64: 1, 1024, 1>}, {transform_indices = @transform_8, window_bounds = array<i64: 1, 1024, 1>}, {transform_indices = @transform_9, window_bounds = array<i64: 1, 1024, 1>}, {pipeline_mode = #tpu.pipeline_mode<synchronous>, transform_indices = @transform_10, window_bounds = array<i64: 1, 20480>}]} {
    %eq3A = arith.constant 0 : i32
    %eq3A_0 = arith.cmpi eq, %arg0, %eq3A : i32
    %convert_element_type3A = arith.extui %eq3A_0 : i1 to i32
    %cond3A = arith.constant 0 : i32
    %cond3A_1 = arith.cmpi ne, %convert_element_type3A, %cond3A : i32
    scf.if %cond3A_1 {
      %broadcast_in_dim3A_108 = arith.constant 0.000000e+00 : f32
      %broadcast_in_dim3A_109 = vector.broadcast %broadcast_in_dim3A_108 : f32 to vector<1x20480xf32>
      %swap3A_110 = arith.constant 0 : index
      %swap3A_111 = arith.constant 0 : index
      %swap3A_112 = vector.load %arg11[%swap3A_110, %swap3A_111] : memref<1x20480xf32, #tpu.memory_space<vmem>>, vector<1x20480xf32>
      tpu.vector_store %arg11[%swap3A_110, %swap3A_111], %broadcast_in_dim3A_109 {strides = array<i32>} : memref<1x20480xf32, #tpu.memory_space<vmem>>, vector<1x20480xf32>,
    } else {
    }
    %mul3A = arith.constant 1024 : i32
    %mul3A_2 = arith.muli %arg0, %mul3A : i32
    %get3A = arith.constant 0 : index
    %get3A_3 = arith.constant 0 : index
    %get3A_4 = arith.constant 0 : index
    %get3A_5 = vector.load %arg6[%get3A, %get3A_3, %get3A_4] : memref<1x1024x1xf32, #tpu.memory_space<vmem>>, vector<1x1024x1xf32>
    %get3A_6 = vector.shape_cast %get3A_5 : vector<1x1024x1xf32> to vector<1024x1xf32>
    %get3A_7 = arith.constant 0 : index
    %get3A_8 = arith.constant 0 : index
    %get3A_9 = arith.constant 0 : index
    %get3A_10 = vector.load %arg7[%get3A_7, %get3A_8, %get3A_9] : memref<1x1024x1xf32, #tpu.memory_space<vmem>>, vector<1x1024x1xf32>
    %get3A_11 = vector.shape_cast %get3A_10 : vector<1x1024x1xf32> to vector<1024x1xf32>
    %get3A_12 = arith.constant 0 : index
    %get3A_13 = arith.constant 0 : index
    %get3A_14 = arith.constant 0 : index
    %get3A_15 = vector.load %arg8[%get3A_12, %get3A_13, %get3A_14] : memref<1x1024x1xf32, #tpu.memory_space<vmem>>, vector<1x1024x1xf32>
    %get3A_16 = vector.shape_cast %get3A_15 : vector<1x1024x1xf32> to vector<1024x1xf32>
    %get3A_17 = arith.constant 0 : index
    %get3A_18 = arith.constant 0 : index
    %get3A_19 = arith.constant 0 : index
    %get3A_20 = vector.load %arg9[%get3A_17, %get3A_18, %get3A_19] : memref<1x1024x1xf32, #tpu.memory_space<vmem>>, vector<1x1024x1xf32>
    %get3A_21 = vector.shape_cast %get3A_20 : vector<1x1024x1xf32> to vector<1024x1xf32>
    %get3A_22 = arith.constant 0 : index
    %get3A_23 = arith.constant 0 : index
    %get3A_24 = arith.constant 0 : index
    %get3A_25 = vector.load %arg10[%get3A_22, %get3A_23, %get3A_24] : memref<1x1024x1xf32, #tpu.memory_space<vmem>>, vector<1x1024x1xf32>
    %get3A_26 = vector.shape_cast %get3A_25 : vector<1x1024x1xf32> to vector<1024x1xf32>
    %get3A_27 = arith.constant 0 : index
    %get3A_28 = arith.index_cast %mul3A_2 : i32 to index
    %get3A_29 = vector.load %arg1[%get3A_27, %get3A_28] : memref<1x20480xf32, #tpu.memory_space<vmem>>, vector<1x1024xf32>
    %get3A_30 = arith.constant 0 : index
    %get3A_31 = arith.index_cast %mul3A_2 : i32 to index
    %get3A_32 = vector.load %arg2[%get3A_30, %get3A_31] : memref<1x20480xf32, #tpu.memory_space<vmem>>, vector<1x1024xf32>
    %get3A_33 = arith.constant 0 : index
    %get3A_34 = arith.index_cast %mul3A_2 : i32 to index
    %get3A_35 = vector.load %arg3[%get3A_33, %get3A_34] : memref<1x20480xf32, #tpu.memory_space<vmem>>, vector<1x1024xf32>
    %get3A_36 = arith.constant 0 : index
    %get3A_37 = arith.index_cast %mul3A_2 : i32 to index
    %get3A_38 = vector.load %arg4[%get3A_36, %get3A_37] : memref<1x20480xf32, #tpu.memory_space<vmem>>, vector<1x1024xf32>
    %get3A_39 = arith.constant 0 : index
    %get3A_40 = arith.index_cast %mul3A_2 : i32 to index
    %get3A_41 = vector.load %arg5[%get3A_39, %get3A_40] : memref<1x20480xf32, #tpu.memory_space<vmem>>, vector<1x1024xf32>
    %max3A = vector.broadcast %get3A_6 : vector<1024x1xf32> to vector<1024x1024xf32>
    %max3A_42 = vector.broadcast %get3A_29 : vector<1x1024xf32> to vector<1024x1024xf32>
    %max3A_43 = arith.maximumf %max3A, %max3A_42 : vector<1024x1024xf32>
    %max3A_44 = vector.broadcast %get3A_11 : vector<1024x1xf32> to vector<1024x1024xf32>
    %max3A_45 = vector.broadcast %get3A_32 : vector<1x1024xf32> to vector<1024x1024xf32>
    %max3A_46 = arith.maximumf %max3A_44, %max3A_45 : vector<1024x1024xf32>
    %min3A = vector.broadcast %get3A_16 : vector<1024x1xf32> to vector<1024x1024xf32>
    %min3A_47 = vector.broadcast %get3A_35 : vector<1x1024xf32> to vector<1024x1024xf32>
    %min3A_48 = arith.minimumf %min3A, %min3A_47 : vector<1024x1024xf32>
    %min3A_49 = vector.broadcast %get3A_21 : vector<1024x1xf32> to vector<1024x1024xf32>
    %min3A_50 = vector.broadcast %get3A_38 : vector<1x1024xf32> to vector<1024x1024xf32>
    %min3A_51 = arith.minimumf %min3A_49, %min3A_50 : vector<1024x1024xf32>
    %sub3A = arith.subf %min3A_48, %max3A_43 : vector<1024x1024xf32>
    %add3A = arith.constant 1.000000e+00 : f32
    %add3A_52 = vector.broadcast %add3A : f32 to vector<1024x1024xf32>
    %add3A_53 = arith.addf %sub3A, %add3A_52 : vector<1024x1024xf32>
    %max3A_54 = arith.constant 0.000000e+00 : f32
    %max3A_55 = vector.broadcast %max3A_54 : f32 to vector<1024x1024xf32>
    %max3A_56 = arith.maximumf %max3A_55, %add3A_53 : vector<1024x1024xf32>
    %sub3A_57 = arith.subf %min3A_51, %max3A_46 : vector<1024x1024xf32>
    %add3A_58 = arith.constant 1.000000e+00 : f32
    %add3A_59 = vector.broadcast %add3A_58 : f32 to vector<1024x1024xf32>
    %add3A_60 = arith.addf %sub3A_57, %add3A_59 : vector<1024x1024xf32>
    %max3A_61 = arith.constant 0.000000e+00 : f32
    %max3A_62 = vector.broadcast %max3A_61 : f32 to vector<1024x1024xf32>
    %max3A_63 = arith.maximumf %max3A_62, %add3A_60 : vector<1024x1024xf32>
    %mul3A_64 = arith.mulf %max3A_56, %max3A_63 : vector<1024x1024xf32>
    %add3A_65 = vector.broadcast %get3A_26 : vector<1024x1xf32> to vector<1024x1024xf32>
    %add3A_66 = vector.broadcast %get3A_41 : vector<1x1024xf32> to vector<1024x1024xf32>
    %add3A_67 = arith.addf %add3A_65, %add3A_66 : vector<1024x1024xf32>
    %sub3A_68 = arith.subf %add3A_67, %mul3A_64 : vector<1024x1024xf32>
    %div3A = arith.divf %mul3A_64, %sub3A_68 : vector<1024x1024xf32>
    %gt3A = arith.constant 3.000000e-01 : f32
    %gt3A_69 = vector.broadcast %gt3A : f32 to vector<1024x1024xf32>
    %gt3A_70 = arith.cmpf ogt, %div3A, %gt3A_69 : vector<1024x1024xf32>
    %eq3A_71 = vector.broadcast %get3A_26 : vector<1024x1xf32> to vector<1024x1024xf32>
    %eq3A_72 = arith.cmpf oeq, %eq3A_71, %mul3A_64 : vector<1024x1024xf32>
    %or3A = arith.ori %gt3A_70, %eq3A_72 : vector<1024x1024xi1>
    %eq3A_73 = vector.broadcast %get3A_41 : vector<1x1024xf32> to vector<1024x1024xf32>
    %eq3A_74 = arith.cmpf oeq, %eq3A_73, %mul3A_64 : vector<1024x1024xf32>
    %or3A_75 = arith.ori %or3A, %eq3A_74 : vector<1024x1024xi1>
    %iota3A = tpu.iota {dimensions = array<i32: 0>} : vector<1024x1024xi32>
    %iota3A_76 = tpu.iota {dimensions = array<i32: 1>} : vector<1024x1024xi32>
    %gt3A_77 = arith.cmpi sgt, %iota3A_76, %iota3A : vector<1024x1024xi32>
    %and3A = arith.andi %or3A_75, %gt3A_77 : vector<1024x1024xi1>
    %jit3A = arith.constant 1.000000e+00 : f32
    %jit3A_78 = arith.constant 0.000000e+00 : f32
    %broadcast_in_dim3A = vector.broadcast %jit3A : f32 to vector<1024x1024xf32>
    %broadcast_in_dim3A_79 = vector.broadcast %jit3A_78 : f32 to vector<1024x1024xf32>
    %select_n3A = arith.select %and3A, %broadcast_in_dim3A, %broadcast_in_dim3A_79 : vector<1024x1024xi1>, vector<1024x1024xf32>
    %swap3A = arith.constant 0 : index
    %swap3A_80 = arith.constant 0 : index
    %swap3A_81 = vector.load %arg12[%swap3A, %swap3A_80] : memref<1024x1024xf32, #tpu.memory_space<vmem>>, vector<1024x1024xf32>
    tpu.vector_store %arg12[%swap3A, %swap3A_80], %select_n3A {strides = array<i32>} : memref<1024x1024xf32, #tpu.memory_space<vmem>>, vector<1024x1024xf32>,
    %iota3A_82 = tpu.iota {dimensions = array<i32: 1>} : vector<1x1024xi32>
    %get3A_83 = arith.constant 0 : index
    %get3A_84 = arith.index_cast %mul3A_2 : i32 to index
    %get3A_85 = vector.load %arg11[%get3A_83, %get3A_84] : memref<1x20480xf32, #tpu.memory_space<vmem>>, vector<1x1024xf32>
    %scan3A = arith.constant 0 : i32
    %scan3A_86 = arith.constant 32 : i32
    %scan3A_87 = arith.addi %scan3A, %scan3A_86 : i32
    %scan3A_88 = arith.constant 1 : i32
    %scan3A_89 = scf.for %scan3A_108 = %scan3A to %scan3A_87 step %scan3A_88 iter_args(%scan3A_109 = %get3A_85) -> (vector<1x1024xf32>)  : i32 {
      %mul3A_110 = arith.constant 32 : i32
      %mul3A_111 = arith.muli %scan3A_108, %mul3A_110 : i32
      %multiple_of3A = tpu.assume_multiple %mul3A_111, 8 : i32
      %get3A_112 = arith.index_cast %multiple_of3A : i32 to index
      %get3A_113 = arith.constant 0 : index
      %get3A_114 = vector.load %arg12[%get3A_112, %get3A_113] : memref<1024x1024xf32, #tpu.memory_space<vmem>>, vector<32x1024xf32>
      %ge3A = vector.broadcast %mul3A_111 : i32 to vector<1x1024xi32>
      %ge3A_115 = arith.cmpi sge, %iota3A_82, %ge3A : vector<1x1024xi32>
      %add3A_116 = arith.constant 32 : i32
      %add3A_117 = arith.addi %mul3A_111, %add3A_116 : i32
      %lt3A = vector.broadcast %add3A_117 : i32 to vector<1x1024xi32>
      %lt3A_118 = arith.cmpi slt, %iota3A_82, %lt3A : vector<1x1024xi32>
      %and3A_119 = arith.andi %ge3A_115, %lt3A_118 : vector<1x1024xi1>
      %jit3A_120 = arith.constant 0.000000e+00 : f32
      %broadcast_in_dim3A_121 = vector.shape_cast %and3A_119 : vector<1x1024xi1> to vector<1x1024xi1>
      %broadcast_in_dim3A_122 = vector.broadcast %broadcast_in_dim3A_121 : vector<1x1024xi1> to vector<32x1024xi1>
      %broadcast_in_dim3A_123 = vector.broadcast %jit3A_120 : f32 to vector<32x1024xf32>
      %select_n3A_124 = arith.select %broadcast_in_dim3A_122, %get3A_114, %broadcast_in_dim3A_123 : vector<32x1024xi1>, vector<32x1024xf32>
      %reduce_max3A = vector.shape_cast %select_n3A_124 : vector<32x1024xf32> to vector<1x32x1024xf32>
      %reduce_max3A_125 = arith.constant dense<0xFF800000> : vector<1xf32>
      %reduce_max3A_126 = vector.multi_reduction <maximumf>, %reduce_max3A, %reduce_max3A_125 [1, 2] : vector<1x32x1024xf32> to vector<1xf32>
      %reduce_max3A_127 = vector.shape_cast %reduce_max3A_126 : vector<1xf32> to vector<1x1x1xf32>
      %reduce_max3A_128 = vector.extract %reduce_max3A_127[0, 0, 0] : f32 from vector<1x1x1xf32>
      %neg3A = arith.constant 0 : i32
      %neg3A_129 = arith.subi %neg3A, %mul3A_111 : i32
      %roll3A = tpu.dynamic_rotate %scan3A_109 by %neg3A_129 dim 1 : vector<1x1024xf32>, i32 -> vector<1x1024xf32>
      %slice3A = vector.extract_strided_slice %roll3A {offsets = [0, 0], sizes = [1, 32], strides = [1, 1]} : vector<1x1024xf32> to vector<1x32xf32>
      %gt3A_130 = arith.constant 0.000000e+00 : f32
      %gt3A_131 = arith.cmpf ogt, %reduce_max3A_128, %gt3A_130 : f32
      %convert_element_type3A_132 = arith.extui %gt3A_131 : i1 to i32
      %cond3A_133 = arith.constant 0 : i32
      %cond3A_134 = arith.cmpi ne, %convert_element_type3A_132, %cond3A_133 : i32
      %cond3A_135 = scf.if %cond3A_134 -> (vector<1x32xf32>) {
        %neg3A_143 = arith.constant 0 : i32
        %neg3A_144 = arith.subi %neg3A_143, %mul3A_111 : i32
        %roll3A_145 = tpu.dynamic_rotate %get3A_114 by %neg3A_144 dim 1 : vector<32x1024xf32>, i32 -> vector<32x1024xf32>
        %slice3A_146 = vector.extract_strided_slice %roll3A_145 {offsets = [0, 0], sizes = [32, 32], strides = [1, 1]} : vector<32x1024xf32> to vector<32x32xf32>
        %slice3A_147 = vector.extract_strided_slice %slice3A {offsets = [0, 0], sizes = [1, 1], strides = [1, 1]} : vector<1x32xf32> to vector<1x1xf32>
        %gt3A_148 = arith.constant 0.000000e+00 : f32
        %gt3A_149 = vector.broadcast %gt3A_148 : f32 to vector<1x1xf32>
        %gt3A_150 = arith.cmpf ogt, %slice3A_147, %gt3A_149 : vector<1x1xf32>
        %jit3A_151 = arith.constant 0.000000e+00 : f32
        %jit3A_152 = arith.constant 1.000000e+00 : f32
        %broadcast_in_dim3A_153 = vector.broadcast %jit3A_151 : f32 to vector<1x1xf32>
        %broadcast_in_dim3A_154 = vector.broadcast %jit3A_152 : f32 to vector<1x1xf32>
        %select_n3A_155 = arith.select %gt3A_150, %broadcast_in_dim3A_153, %broadcast_in_dim3A_154 : vector<1x1xi1>, vector<1x1xf32>
        %slice3A_156 = vector.extract_strided_slice %slice3A_146 {offsets = [0, 0], sizes = [1, 32], strides = [1, 1]} : vector<32x32xf32> to vector<1x32xf32>
        %mul3A_157 = vector.broadcast %select_n3A_155 : vector<1x1xf32> to vector<1x32xf32>
        %mul3A_158 = arith.mulf %slice3A_156, %mul3A_157 : vector<1x32xf32>
        %max3A_159 = arith.maximumf %slice3A, %mul3A_158 : vector<1x32xf32>
        %slice3A_160 = vector.extract_strided_slice %max3A_159 {offsets = [0, 1], sizes = [1, 1], strides = [1, 1]} : vector<1x32xf32> to vector<1x1xf32>
        %gt3A_161 = arith.constant 0.000000e+00 : f32
        %gt3A_162 = vector.broadcast %gt3A_161 : f32 to vector<1x1xf32>
        %gt3A_163 = arith.cmpf ogt, %slice3A_160, %gt3A_162 : vector<1x1xf32>
        %jit3A_164 = arith.constant 0.000000e+00 : f32
        %jit3A_165 = arith.constant 1.000000e+00 : f32
        %broadcast_in_dim3A_166 = vector.broadcast %jit3A_164 : f32 to vector<1x1xf32>
        %broadcast_in_dim3A_167 = vector.broadcast %jit3A_165 : f32 to vector<1x1xf32>
        %select_n3A_168 = arith.select %gt3A_163, %broadcast_in_dim3A_166, %broadcast_in_dim3A_167 : vector<1x1xi1>, vector<1x1xf32>
        %slice3A_169 = vector.extract_strided_slice %slice3A_146 {offsets = [1, 0], sizes = [1, 32], strides = [1, 1]} : vector<32x32xf32> to vector<1x32xf32>
        %mul3A_170 = vector.broadcast %select_n3A_168 : vector<1x1xf32> to vector<1x32xf32>
        %mul3A_171 = arith.mulf %slice3A_169, %mul3A_170 : vector<1x32xf32>
        %max3A_172 = arith.maximumf %max3A_159, %mul3A_171 : vector<1x32xf32>
        %slice3A_173 = vector.extract_strided_slice %max3A_172 {offsets = [0, 2], sizes = [1, 1], strides = [1, 1]} : vector<1x32xf32> to vector<1x1xf32>
        %gt3A_174 = arith.constant 0.000000e+00 : f32
        %gt3A_175 = vector.broadcast %gt3A_174 : f32 to vector<1x1xf32>
        %gt3A_176 = arith.cmpf ogt, %slice3A_173, %gt3A_175 : vector<1x1xf32>
        %jit3A_177 = arith.constant 0.000000e+00 : f32
        %jit3A_178 = arith.constant 1.000000e+00 : f32
        %broadcast_in_dim3A_179 = vector.broadcast %jit3A_177 : f32 to vector<1x1xf32>
        %broadcast_in_dim3A_180 = vector.broadcast %jit3A_178 : f32 to vector<1x1xf32>
        %select_n3A_181 = arith.select %gt3A_176, %broadcast_in_dim3A_179, %broadcast_in_dim3A_180 : vector<1x1xi1>, vector<1x1xf32>
        %slice3A_182 = vector.extract_strided_slice %slice3A_146 {offsets = [2, 0], sizes = [1, 32], strides = [1, 1]} : vector<32x32xf32> to vector<1x32xf32>
        %mul3A_183 = vector.broadcast %select_n3A_181 : vector<1x1xf32> to vector<1x32xf32>
        %mul3A_184 = arith.mulf %slice3A_182, %mul3A_183 : vector<1x32xf32>
        %max3A_185 = arith.maximumf %max3A_172, %mul3A_184 : vector<1x32xf32>
        %slice3A_186 = vector.extract_strided_slice %max3A_185 {offsets = [0, 3], sizes = [1, 1], strides = [1, 1]} : vector<1x32xf32> to vector<1x1xf32>
        %gt3A_187 = arith.constant 0.000000e+00 : f32
        %gt3A_188 = vector.broadcast %gt3A_187 : f32 to vector<1x1xf32>
        %gt3A_189 = arith.cmpf ogt, %slice3A_186, %gt3A_188 : vector<1x1xf32>
        %jit3A_190 = arith.constant 0.000000e+00 : f32
        %jit3A_191 = arith.constant 1.000000e+00 : f32
        %broadcast_in_dim3A_192 = vector.broadcast %jit3A_190 : f32 to vector<1x1xf32>
        %broadcast_in_dim3A_193 = vector.broadcast %jit3A_191 : f32 to vector<1x1xf32>
        %select_n3A_194 = arith.select %gt3A_189, %broadcast_in_dim3A_192, %broadcast_in_dim3A_193 : vector<1x1xi1>, vector<1x1xf32>
        %slice3A_195 = vector.extract_strided_slice %slice3A_146 {offsets = [3, 0], sizes = [1, 32], strides = [1, 1]} : vector<32x32xf32> to vector<1x32xf32>
        %mul3A_196 = vector.broadcast %select_n3A_194 : vector<1x1xf32> to vector<1x32xf32>
        %mul3A_197 = arith.mulf %slice3A_195, %mul3A_196 : vector<1x32xf32>
        %max3A_198 = arith.maximumf %max3A_185, %mul3A_197 : vector<1x32xf32>
        %slice3A_199 = vector.extract_strided_slice %max3A_198 {offsets = [0, 4], sizes = [1, 1], strides = [1, 1]} : vector<1x32xf32> to vector<1x1xf32>
        %gt3A_200 = arith.constant 0.000000e+00 : f32
        %gt3A_201 = vector.broadcast %gt3A_200 : f32 to vector<1x1xf32>
        %gt3A_202 = arith.cmpf ogt, %slice3A_199, %gt3A_201 : vector<1x1xf32>
        %jit3A_203 = arith.constant 0.000000e+00 : f32
        %jit3A_204 = arith.constant 1.000000e+00 : f32
        %broadcast_in_dim3A_205 = vector.broadcast %jit3A_203 : f32 to vector<1x1xf32>
        %broadcast_in_dim3A_206 = vector.broadcast %jit3A_204 : f32 to vector<1x1xf32>
        %select_n3A_207 = arith.select %gt3A_202, %broadcast_in_dim3A_205, %broadcast_in_dim3A_206 : vector<1x1xi1>, vector<1x1xf32>
        %slice3A_208 = vector.extract_strided_slice %slice3A_146 {offsets = [4, 0], sizes = [1, 32], strides = [1, 1]} : vector<32x32xf32> to vector<1x32xf32>
        %mul3A_209 = vector.broadcast %select_n3A_207 : vector<1x1xf32> to vector<1x32xf32>
        %mul3A_210 = arith.mulf %slice3A_208, %mul3A_209 : vector<1x32xf32>
        %max3A_211 = arith.maximumf %max3A_198, %mul3A_210 : vector<1x32xf32>
        %slice3A_212 = vector.extract_strided_slice %max3A_211 {offsets = [0, 5], sizes = [1, 1], strides = [1, 1]} : vector<1x32xf32> to vector<1x1xf32>
        %gt3A_213 = arith.constant 0.000000e+00 : f32
        %gt3A_214 = vector.broadcast %gt3A_213 : f32 to vector<1x1xf32>
        %gt3A_215 = arith.cmpf ogt, %slice3A_212, %gt3A_214 : vector<1x1xf32>
        %jit3A_216 = arith.constant 0.000000e+00 : f32
        %jit3A_217 = arith.constant 1.000000e+00 : f32
        %broadcast_in_dim3A_218 = vector.broadcast %jit3A_216 : f32 to vector<1x1xf32>
        %broadcast_in_dim3A_219 = vector.broadcast %jit3A_217 : f32 to vector<1x1xf32>
        %select_n3A_220 = arith.select %gt3A_215, %broadcast_in_dim3A_218, %broadcast_in_dim3A_219 : vector<1x1xi1>, vector<1x1xf32>
        %slice3A_221 = vector.extract_strided_slice %slice3A_146 {offsets = [5, 0], sizes = [1, 32], strides = [1, 1]} : vector<32x32xf32> to vector<1x32xf32>
        %mul3A_222 = vector.broadcast %select_n3A_220 : vector<1x1xf32> to vector<1x32xf32>
        %mul3A_223 = arith.mulf %slice3A_221, %mul3A_222 : vector<1x32xf32>
        %max3A_224 = arith.maximumf %max3A_211, %mul3A_223 : vector<1x32xf32>
        %slice3A_225 = vector.extract_strided_slice %max3A_224 {offsets = [0, 6], sizes = [1, 1], strides = [1, 1]} : vector<1x32xf32> to vector<1x1xf32>
        %gt3A_226 = arith.constant 0.000000e+00 : f32
        %gt3A_227 = vector.broadcast %gt3A_226 : f32 to vector<1x1xf32>
        %gt3A_228 = arith.cmpf ogt, %slice3A_225, %gt3A_227 : vector<1x1xf32>
        %jit3A_229 = arith.constant 0.000000e+00 : f32
        %jit3A_230 = arith.constant 1.000000e+00 : f32
        %broadcast_in_dim3A_231 = vector.broadcast %jit3A_229 : f32 to vector<1x1xf32>
        %broadcast_in_dim3A_232 = vector.broadcast %jit3A_230 : f32 to vector<1x1xf32>
        %select_n3A_233 = arith.select %gt3A_228, %broadcast_in_dim3A_231, %broadcast_in_dim3A_232 : vector<1x1xi1>, vector<1x1xf32>
        %slice3A_234 = vector.extract_strided_slice %slice3A_146 {offsets = [6, 0], sizes = [1, 32], strides = [1, 1]} : vector<32x32xf32> to vector<1x32xf32>
        %mul3A_235 = vector.broadcast %select_n3A_233 : vector<1x1xf32> to vector<1x32xf32>
        %mul3A_236 = arith.mulf %slice3A_234, %mul3A_235 : vector<1x32xf32>
        %max3A_237 = arith.maximumf %max3A_224, %mul3A_236 : vector<1x32xf32>
        %slice3A_238 = vector.extract_strided_slice %max3A_237 {offsets = [0, 7], sizes = [1, 1], strides = [1, 1]} : vector<1x32xf32> to vector<1x1xf32>
        %gt3A_239 = arith.constant 0.000000e+00 : f32
        %gt3A_240 = vector.broadcast %gt3A_239 : f32 to vector<1x1xf32>
        %gt3A_241 = arith.cmpf ogt, %slice3A_238, %gt3A_240 : vector<1x1xf32>
        %jit3A_242 = arith.constant 0.000000e+00 : f32
        %jit3A_243 = arith.constant 1.000000e+00 : f32
        %broadcast_in_dim3A_244 = vector.broadcast %jit3A_242 : f32 to vector<1x1xf32>
        %broadcast_in_dim3A_245 = vector.broadcast %jit3A_243 : f32 to vector<1x1xf32>
        %select_n3A_246 = arith.select %gt3A_241, %broadcast_in_dim3A_244, %broadcast_in_dim3A_245 : vector<1x1xi1>, vector<1x1xf32>
        %slice3A_247 = vector.extract_strided_slice %slice3A_146 {offsets = [7, 0], sizes = [1, 32], strides = [1, 1]} : vector<32x32xf32> to vector<1x32xf32>
        %mul3A_248 = vector.broadcast %select_n3A_246 : vector<1x1xf32> to vector<1x32xf32>
        %mul3A_249 = arith.mulf %slice3A_247, %mul3A_248 : vector<1x32xf32>
        %max3A_250 = arith.maximumf %max3A_237, %mul3A_249 : vector<1x32xf32>
        %slice3A_251 = vector.extract_strided_slice %max3A_250 {offsets = [0, 8], sizes = [1, 1], strides = [1, 1]} : vector<1x32xf32> to vector<1x1xf32>
        %gt3A_252 = arith.constant 0.000000e+00 : f32
        %gt3A_253 = vector.broadcast %gt3A_252 : f32 to vector<1x1xf32>
        %gt3A_254 = arith.cmpf ogt, %slice3A_251, %gt3A_253 : vector<1x1xf32>
        %jit3A_255 = arith.constant 0.000000e+00 : f32
        %jit3A_256 = arith.constant 1.000000e+00 : f32
        %broadcast_in_dim3A_257 = vector.broadcast %jit3A_255 : f32 to vector<1x1xf32>
        %broadcast_in_dim3A_258 = vector.broadcast %jit3A_256 : f32 to vector<1x1xf32>
        %select_n3A_259 = arith.select %gt3A_254, %broadcast_in_dim3A_257, %broadcast_in_dim3A_258 : vector<1x1xi1>, vector<1x1xf32>
        %slice3A_260 = vector.extract_strided_slice %slice3A_146 {offsets = [8, 0], sizes = [1, 32], strides = [1, 1]} : vector<32x32xf32> to vector<1x32xf32>
        %mul3A_261 = vector.broadcast %select_n3A_259 : vector<1x1xf32> to vector<1x32xf32>
        %mul3A_262 = arith.mulf %slice3A_260, %mul3A_261 : vector<1x32xf32>
        %max3A_263 = arith.maximumf %max3A_250, %mul3A_262 : vector<1x32xf32>
        %slice3A_264 = vector.extract_strided_slice %max3A_263 {offsets = [0, 9], sizes = [1, 1], strides = [1, 1]} : vector<1x32xf32> to vector<1x1xf32>
        %gt3A_265 = arith.constant 0.000000e+00 : f32
        %gt3A_266 = vector.broadcast %gt3A_265 : f32 to vector<1x1xf32>
        %gt3A_267 = arith.cmpf ogt, %slice3A_264, %gt3A_266 : vector<1x1xf32>
        %jit3A_268 = arith.constant 0.000000e+00 : f32
        %jit3A_269 = arith.constant 1.000000e+00 : f32
        %broadcast_in_dim3A_270 = vector.broadcast %jit3A_268 : f32 to vector<1x1xf32>
        %broadcast_in_dim3A_271 = vector.broadcast %jit3A_269 : f32 to vector<1x1xf32>
        %select_n3A_272 = arith.select %gt3A_267, %broadcast_in_dim3A_270, %broadcast_in_dim3A_271 : vector<1x1xi1>, vector<1x1xf32>
        %slice3A_273 = vector.extract_strided_slice %slice3A_146 {offsets = [9, 0], sizes = [1, 32], strides = [1, 1]} : vector<32x32xf32> to vector<1x32xf32>
        %mul3A_274 = vector.broadcast %select_n3A_272 : vector<1x1xf32> to vector<1x32xf32>
        %mul3A_275 = arith.mulf %slice3A_273, %mul3A_274 : vector<1x32xf32>
        %max3A_276 = arith.maximumf %max3A_263, %mul3A_275 : vector<1x32xf32>
        %slice3A_277 = vector.extract_strided_slice %max3A_276 {offsets = [0, 10], sizes = [1, 1], strides = [1, 1]} : vector<1x32xf32> to vector<1x1xf32>
        %gt3A_278 = arith.constant 0.000000e+00 : f32
        %gt3A_279 = vector.broadcast %gt3A_278 : f32 to vector<1x1xf32>
        %gt3A_280 = arith.cmpf ogt, %slice3A_277, %gt3A_279 : vector<1x1xf32>
        %jit3A_281 = arith.constant 0.000000e+00 : f32
        %jit3A_282 = arith.constant 1.000000e+00 : f32
        %broadcast_in_dim3A_283 = vector.broadcast %jit3A_281 : f32 to vector<1x1xf32>
        %broadcast_in_dim3A_284 = vector.broadcast %jit3A_282 : f32 to vector<1x1xf32>
        %select_n3A_285 = arith.select %gt3A_280, %broadcast_in_dim3A_283, %broadcast_in_dim3A_284 : vector<1x1xi1>, vector<1x1xf32>
        %slice3A_286 = vector.extract_strided_slice %slice3A_146 {offsets = [10, 0], sizes = [1, 32], strides = [1, 1]} : vector<32x32xf32> to vector<1x32xf32>
        %mul3A_287 = vector.broadcast %select_n3A_285 : vector<1x1xf32> to vector<1x32xf32>
        %mul3A_288 = arith.mulf %slice3A_286, %mul3A_287 : vector<1x32xf32>
        %max3A_289 = arith.maximumf %max3A_276, %mul3A_288 : vector<1x32xf32>
        %slice3A_290 = vector.extract_strided_slice %max3A_289 {offsets = [0, 11], sizes = [1, 1], strides = [1, 1]} : vector<1x32xf32> to vector<1x1xf32>
        %gt3A_291 = arith.constant 0.000000e+00 : f32
        %gt3A_292 = vector.broadcast %gt3A_291 : f32 to vector<1x1xf32>
        %gt3A_293 = arith.cmpf ogt, %slice3A_290, %gt3A_292 : vector<1x1xf32>
        %jit3A_294 = arith.constant 0.000000e+00 : f32
        %jit3A_295 = arith.constant 1.000000e+00 : f32
        %broadcast_in_dim3A_296 = vector.broadcast %jit3A_294 : f32 to vector<1x1xf32>
        %broadcast_in_dim3A_297 = vector.broadcast %jit3A_295 : f32 to vector<1x1xf32>
        %select_n3A_298 = arith.select %gt3A_293, %broadcast_in_dim3A_296, %broadcast_in_dim3A_297 : vector<1x1xi1>, vector<1x1xf32>
        %slice3A_299 = vector.extract_strided_slice %slice3A_146 {offsets = [11, 0], sizes = [1, 32], strides = [1, 1]} : vector<32x32xf32> to vector<1x32xf32>
        %mul3A_300 = vector.broadcast %select_n3A_298 : vector<1x1xf32> to vector<1x32xf32>
        %mul3A_301 = arith.mulf %slice3A_299, %mul3A_300 : vector<1x32xf32>
        %max3A_302 = arith.maximumf %max3A_289, %mul3A_301 : vector<1x32xf32>
        %slice3A_303 = vector.extract_strided_slice %max3A_302 {offsets = [0, 12], sizes = [1, 1], strides = [1, 1]} : vector<1x32xf32> to vector<1x1xf32>
        %gt3A_304 = arith.constant 0.000000e+00 : f32
        %gt3A_305 = vector.broadcast %gt3A_304 : f32 to vector<1x1xf32>
        %gt3A_306 = arith.cmpf ogt, %slice3A_303, %gt3A_305 : vector<1x1xf32>
        %jit3A_307 = arith.constant 0.000000e+00 : f32
        %jit3A_308 = arith.constant 1.000000e+00 : f32
        %broadcast_in_dim3A_309 = vector.broadcast %jit3A_307 : f32 to vector<1x1xf32>
        %broadcast_in_dim3A_310 = vector.broadcast %jit3A_308 : f32 to vector<1x1xf32>
        %select_n3A_311 = arith.select %gt3A_306, %broadcast_in_dim3A_309, %broadcast_in_dim3A_310 : vector<1x1xi1>, vector<1x1xf32>
        %slice3A_312 = vector.extract_strided_slice %slice3A_146 {offsets = [12, 0], sizes = [1, 32], strides = [1, 1]} : vector<32x32xf32> to vector<1x32xf32>
        %mul3A_313 = vector.broadcast %select_n3A_311 : vector<1x1xf32> to vector<1x32xf32>
        %mul3A_314 = arith.mulf %slice3A_312, %mul3A_313 : vector<1x32xf32>
        %max3A_315 = arith.maximumf %max3A_302, %mul3A_314 : vector<1x32xf32>
        %slice3A_316 = vector.extract_strided_slice %max3A_315 {offsets = [0, 13], sizes = [1, 1], strides = [1, 1]} : vector<1x32xf32> to vector<1x1xf32>
        %gt3A_317 = arith.constant 0.000000e+00 : f32
        %gt3A_318 = vector.broadcast %gt3A_317 : f32 to vector<1x1xf32>
        %gt3A_319 = arith.cmpf ogt, %slice3A_316, %gt3A_318 : vector<1x1xf32>
        %jit3A_320 = arith.constant 0.000000e+00 : f32
        %jit3A_321 = arith.constant 1.000000e+00 : f32
        %broadcast_in_dim3A_322 = vector.broadcast %jit3A_320 : f32 to vector<1x1xf32>
        %broadcast_in_dim3A_323 = vector.broadcast %jit3A_321 : f32 to vector<1x1xf32>
        %select_n3A_324 = arith.select %gt3A_319, %broadcast_in_dim3A_322, %broadcast_in_dim3A_323 : vector<1x1xi1>, vector<1x1xf32>
        %slice3A_325 = vector.extract_strided_slice %slice3A_146 {offsets = [13, 0], sizes = [1, 32], strides = [1, 1]} : vector<32x32xf32> to vector<1x32xf32>
        %mul3A_326 = vector.broadcast %select_n3A_324 : vector<1x1xf32> to vector<1x32xf32>
        %mul3A_327 = arith.mulf %slice3A_325, %mul3A_326 : vector<1x32xf32>
        %max3A_328 = arith.maximumf %max3A_315, %mul3A_327 : vector<1x32xf32>
        %slice3A_329 = vector.extract_strided_slice %max3A_328 {offsets = [0, 14], sizes = [1, 1], strides = [1, 1]} : vector<1x32xf32> to vector<1x1xf32>
        %gt3A_330 = arith.constant 0.000000e+00 : f32
        %gt3A_331 = vector.broadcast %gt3A_330 : f32 to vector<1x1xf32>
        %gt3A_332 = arith.cmpf ogt, %slice3A_329, %gt3A_331 : vector<1x1xf32>
        %jit3A_333 = arith.constant 0.000000e+00 : f32
        %jit3A_334 = arith.constant 1.000000e+00 : f32
        %broadcast_in_dim3A_335 = vector.broadcast %jit3A_333 : f32 to vector<1x1xf32>
        %broadcast_in_dim3A_336 = vector.broadcast %jit3A_334 : f32 to vector<1x1xf32>
        %select_n3A_337 = arith.select %gt3A_332, %broadcast_in_dim3A_335, %broadcast_in_dim3A_336 : vector<1x1xi1>, vector<1x1xf32>
        %slice3A_338 = vector.extract_strided_slice %slice3A_146 {offsets = [14, 0], sizes = [1, 32], strides = [1, 1]} : vector<32x32xf32> to vector<1x32xf32>
        %mul3A_339 = vector.broadcast %select_n3A_337 : vector<1x1xf32> to vector<1x32xf32>
        %mul3A_340 = arith.mulf %slice3A_338, %mul3A_339 : vector<1x32xf32>
        %max3A_341 = arith.maximumf %max3A_328, %mul3A_340 : vector<1x32xf32>
        %slice3A_342 = vector.extract_strided_slice %max3A_341 {offsets = [0, 15], sizes = [1, 1], strides = [1, 1]} : vector<1x32xf32> to vector<1x1xf32>
        %gt3A_343 = arith.constant 0.000000e+00 : f32
        %gt3A_344 = vector.broadcast %gt3A_343 : f32 to vector<1x1xf32>
        %gt3A_345 = arith.cmpf ogt, %slice3A_342, %gt3A_344 : vector<1x1xf32>
        %jit3A_346 = arith.constant 0.000000e+00 : f32
        %jit3A_347 = arith.constant 1.000000e+00 : f32
        %broadcast_in_dim3A_348 = vector.broadcast %jit3A_346 : f32 to vector<1x1xf32>
        %broadcast_in_dim3A_349 = vector.broadcast %jit3A_347 : f32 to vector<1x1xf32>
        %select_n3A_350 = arith.select %gt3A_345, %broadcast_in_dim3A_348, %broadcast_in_dim3A_349 : vector<1x1xi1>, vector<1x1xf32>
        %slice3A_351 = vector.extract_strided_slice %slice3A_146 {offsets = [15, 0], sizes = [1, 32], strides = [1, 1]} : vector<32x32xf32> to vector<1x32xf32>
        %mul3A_352 = vector.broadcast %select_n3A_350 : vector<1x1xf32> to vector<1x32xf32>
        %mul3A_353 = arith.mulf %slice3A_351, %mul3A_352 : vector<1x32xf32>
        %max3A_354 = arith.maximumf %max3A_341, %mul3A_353 : vector<1x32xf32>
        %slice3A_355 = vector.extract_strided_slice %max3A_354 {offsets = [0, 16], sizes = [1, 1], strides = [1, 1]} : vector<1x32xf32> to vector<1x1xf32>
        %gt3A_356 = arith.constant 0.000000e+00 : f32
        %gt3A_357 = vector.broadcast %gt3A_356 : f32 to vector<1x1xf32>
        %gt3A_358 = arith.cmpf ogt, %slice3A_355, %gt3A_357 : vector<1x1xf32>
        %jit3A_359 = arith.constant 0.000000e+00 : f32
        %jit3A_360 = arith.constant 1.000000e+00 : f32
        %broadcast_in_dim3A_361 = vector.broadcast %jit3A_359 : f32 to vector<1x1xf32>
        %broadcast_in_dim3A_362 = vector.broadcast %jit3A_360 : f32 to vector<1x1xf32>
        %select_n3A_363 = arith.select %gt3A_358, %broadcast_in_dim3A_361, %broadcast_in_dim3A_362 : vector<1x1xi1>, vector<1x1xf32>
        %slice3A_364 = vector.extract_strided_slice %slice3A_146 {offsets = [16, 0], sizes = [1, 32], strides = [1, 1]} : vector<32x32xf32> to vector<1x32xf32>
        %mul3A_365 = vector.broadcast %select_n3A_363 : vector<1x1xf32> to vector<1x32xf32>
        %mul3A_366 = arith.mulf %slice3A_364, %mul3A_365 : vector<1x32xf32>
        %max3A_367 = arith.maximumf %max3A_354, %mul3A_366 : vector<1x32xf32>
        %slice3A_368 = vector.extract_strided_slice %max3A_367 {offsets = [0, 17], sizes = [1, 1], strides = [1, 1]} : vector<1x32xf32> to vector<1x1xf32>
        %gt3A_369 = arith.constant 0.000000e+00 : f32
        %gt3A_370 = vector.broadcast %gt3A_369 : f32 to vector<1x1xf32>
        %gt3A_371 = arith.cmpf ogt, %slice3A_368, %gt3A_370 : vector<1x1xf32>
        %jit3A_372 = arith.constant 0.000000e+00 : f32
        %jit3A_373 = arith.constant 1.000000e+00 : f32
        %broadcast_in_dim3A_374 = vector.broadcast %jit3A_372 : f32 to vector<1x1xf32>
        %broadcast_in_dim3A_375 = vector.broadcast %jit3A_373 : f32 to vector<1x1xf32>
        %select_n3A_376 = arith.select %gt3A_371, %broadcast_in_dim3A_374, %broadcast_in_dim3A_375 : vector<1x1xi1>, vector<1x1xf32>
        %slice3A_377 = vector.extract_strided_slice %slice3A_146 {offsets = [17, 0], sizes = [1, 32], strides = [1, 1]} : vector<32x32xf32> to vector<1x32xf32>
        %mul3A_378 = vector.broadcast %select_n3A_376 : vector<1x1xf32> to vector<1x32xf32>
        %mul3A_379 = arith.mulf %slice3A_377, %mul3A_378 : vector<1x32xf32>
        %max3A_380 = arith.maximumf %max3A_367, %mul3A_379 : vector<1x32xf32>
        %slice3A_381 = vector.extract_strided_slice %max3A_380 {offsets = [0, 18], sizes = [1, 1], strides = [1, 1]} : vector<1x32xf32> to vector<1x1xf32>
        %gt3A_382 = arith.constant 0.000000e+00 : f32
        %gt3A_383 = vector.broadcast %gt3A_382 : f32 to vector<1x1xf32>
        %gt3A_384 = arith.cmpf ogt, %slice3A_381, %gt3A_383 : vector<1x1xf32>
        %jit3A_385 = arith.constant 0.000000e+00 : f32
        %jit3A_386 = arith.constant 1.000000e+00 : f32
        %broadcast_in_dim3A_387 = vector.broadcast %jit3A_385 : f32 to vector<1x1xf32>
        %broadcast_in_dim3A_388 = vector.broadcast %jit3A_386 : f32 to vector<1x1xf32>
        %select_n3A_389 = arith.select %gt3A_384, %broadcast_in_dim3A_387, %broadcast_in_dim3A_388 : vector<1x1xi1>, vector<1x1xf32>
        %slice3A_390 = vector.extract_strided_slice %slice3A_146 {offsets = [18, 0], sizes = [1, 32], strides = [1, 1]} : vector<32x32xf32> to vector<1x32xf32>
        %mul3A_391 = vector.broadcast %select_n3A_389 : vector<1x1xf32> to vector<1x32xf32>
        %mul3A_392 = arith.mulf %slice3A_390, %mul3A_391 : vector<1x32xf32>
        %max3A_393 = arith.maximumf %max3A_380, %mul3A_392 : vector<1x32xf32>
        %slice3A_394 = vector.extract_strided_slice %max3A_393 {offsets = [0, 19], sizes = [1, 1], strides = [1, 1]} : vector<1x32xf32> to vector<1x1xf32>
        %gt3A_395 = arith.constant 0.000000e+00 : f32
        %gt3A_396 = vector.broadcast %gt3A_395 : f32 to vector<1x1xf32>
        %gt3A_397 = arith.cmpf ogt, %slice3A_394, %gt3A_396 : vector<1x1xf32>
        %jit3A_398 = arith.constant 0.000000e+00 : f32
        %jit3A_399 = arith.constant 1.000000e+00 : f32
        %broadcast_in_dim3A_400 = vector.broadcast %jit3A_398 : f32 to vector<1x1xf32>
        %broadcast_in_dim3A_401 = vector.broadcast %jit3A_399 : f32 to vector<1x1xf32>
        %select_n3A_402 = arith.select %gt3A_397, %broadcast_in_dim3A_400, %broadcast_in_dim3A_401 : vector<1x1xi1>, vector<1x1xf32>
        %slice3A_403 = vector.extract_strided_slice %slice3A_146 {offsets = [19, 0], sizes = [1, 32], strides = [1, 1]} : vector<32x32xf32> to vector<1x32xf32>
        %mul3A_404 = vector.broadcast %select_n3A_402 : vector<1x1xf32> to vector<1x32xf32>
        %mul3A_405 = arith.mulf %slice3A_403, %mul3A_404 : vector<1x32xf32>
        %max3A_406 = arith.maximumf %max3A_393, %mul3A_405 : vector<1x32xf32>
        %slice3A_407 = vector.extract_strided_slice %max3A_406 {offsets = [0, 20], sizes = [1, 1], strides = [1, 1]} : vector<1x32xf32> to vector<1x1xf32>
        %gt3A_408 = arith.constant 0.000000e+00 : f32
        %gt3A_409 = vector.broadcast %gt3A_408 : f32 to vector<1x1xf32>
        %gt3A_410 = arith.cmpf ogt, %slice3A_407, %gt3A_409 : vector<1x1xf32>
        %jit3A_411 = arith.constant 0.000000e+00 : f32
        %jit3A_412 = arith.constant 1.000000e+00 : f32
        %broadcast_in_dim3A_413 = vector.broadcast %jit3A_411 : f32 to vector<1x1xf32>
        %broadcast_in_dim3A_414 = vector.broadcast %jit3A_412 : f32 to vector<1x1xf32>
        %select_n3A_415 = arith.select %gt3A_410, %broadcast_in_dim3A_413, %broadcast_in_dim3A_414 : vector<1x1xi1>, vector<1x1xf32>
        %slice3A_416 = vector.extract_strided_slice %slice3A_146 {offsets = [20, 0], sizes = [1, 32], strides = [1, 1]} : vector<32x32xf32> to vector<1x32xf32>
        %mul3A_417 = vector.broadcast %select_n3A_415 : vector<1x1xf32> to vector<1x32xf32>
        %mul3A_418 = arith.mulf %slice3A_416, %mul3A_417 : vector<1x32xf32>
        %max3A_419 = arith.maximumf %max3A_406, %mul3A_418 : vector<1x32xf32>
        %slice3A_420 = vector.extract_strided_slice %max3A_419 {offsets = [0, 21], sizes = [1, 1], strides = [1, 1]} : vector<1x32xf32> to vector<1x1xf32>
        %gt3A_421 = arith.constant 0.000000e+00 : f32
        %gt3A_422 = vector.broadcast %gt3A_421 : f32 to vector<1x1xf32>
        %gt3A_423 = arith.cmpf ogt, %slice3A_420, %gt3A_422 : vector<1x1xf32>
        %jit3A_424 = arith.constant 0.000000e+00 : f32
        %jit3A_425 = arith.constant 1.000000e+00 : f32
        %broadcast_in_dim3A_426 = vector.broadcast %jit3A_424 : f32 to vector<1x1xf32>
        %broadcast_in_dim3A_427 = vector.broadcast %jit3A_425 : f32 to vector<1x1xf32>
        %select_n3A_428 = arith.select %gt3A_423, %broadcast_in_dim3A_426, %broadcast_in_dim3A_427 : vector<1x1xi1>, vector<1x1xf32>
        %slice3A_429 = vector.extract_strided_slice %slice3A_146 {offsets = [21, 0], sizes = [1, 32], strides = [1, 1]} : vector<32x32xf32> to vector<1x32xf32>
        %mul3A_430 = vector.broadcast %select_n3A_428 : vector<1x1xf32> to vector<1x32xf32>
        %mul3A_431 = arith.mulf %slice3A_429, %mul3A_430 : vector<1x32xf32>
        %max3A_432 = arith.maximumf %max3A_419, %mul3A_431 : vector<1x32xf32>
        %slice3A_433 = vector.extract_strided_slice %max3A_432 {offsets = [0, 22], sizes = [1, 1], strides = [1, 1]} : vector<1x32xf32> to vector<1x1xf32>
        %gt3A_434 = arith.constant 0.000000e+00 : f32
        %gt3A_435 = vector.broadcast %gt3A_434 : f32 to vector<1x1xf32>
        %gt3A_436 = arith.cmpf ogt, %slice3A_433, %gt3A_435 : vector<1x1xf32>
        %jit3A_437 = arith.constant 0.000000e+00 : f32
        %jit3A_438 = arith.constant 1.000000e+00 : f32
        %broadcast_in_dim3A_439 = vector.broadcast %jit3A_437 : f32 to vector<1x1xf32>
        %broadcast_in_dim3A_440 = vector.broadcast %jit3A_438 : f32 to vector<1x1xf32>
        %select_n3A_441 = arith.select %gt3A_436, %broadcast_in_dim3A_439, %broadcast_in_dim3A_440 : vector<1x1xi1>, vector<1x1xf32>
        %slice3A_442 = vector.extract_strided_slice %slice3A_146 {offsets = [22, 0], sizes = [1, 32], strides = [1, 1]} : vector<32x32xf32> to vector<1x32xf32>
        %mul3A_443 = vector.broadcast %select_n3A_441 : vector<1x1xf32> to vector<1x32xf32>
        %mul3A_444 = arith.mulf %slice3A_442, %mul3A_443 : vector<1x32xf32>
        %max3A_445 = arith.maximumf %max3A_432, %mul3A_444 : vector<1x32xf32>
        %slice3A_446 = vector.extract_strided_slice %max3A_445 {offsets = [0, 23], sizes = [1, 1], strides = [1, 1]} : vector<1x32xf32> to vector<1x1xf32>
        %gt3A_447 = arith.constant 0.000000e+00 : f32
        %gt3A_448 = vector.broadcast %gt3A_447 : f32 to vector<1x1xf32>
        %gt3A_449 = arith.cmpf ogt, %slice3A_446, %gt3A_448 : vector<1x1xf32>
        %jit3A_450 = arith.constant 0.000000e+00 : f32
        %jit3A_451 = arith.constant 1.000000e+00 : f32
        %broadcast_in_dim3A_452 = vector.broadcast %jit3A_450 : f32 to vector<1x1xf32>
        %broadcast_in_dim3A_453 = vector.broadcast %jit3A_451 : f32 to vector<1x1xf32>
        %select_n3A_454 = arith.select %gt3A_449, %broadcast_in_dim3A_452, %broadcast_in_dim3A_453 : vector<1x1xi1>, vector<1x1xf32>
        %slice3A_455 = vector.extract_strided_slice %slice3A_146 {offsets = [23, 0], sizes = [1, 32], strides = [1, 1]} : vector<32x32xf32> to vector<1x32xf32>
        %mul3A_456 = vector.broadcast %select_n3A_454 : vector<1x1xf32> to vector<1x32xf32>
        %mul3A_457 = arith.mulf %slice3A_455, %mul3A_456 : vector<1x32xf32>
        %max3A_458 = arith.maximumf %max3A_445, %mul3A_457 : vector<1x32xf32>
        %slice3A_459 = vector.extract_strided_slice %max3A_458 {offsets = [0, 24], sizes = [1, 1], strides = [1, 1]} : vector<1x32xf32> to vector<1x1xf32>
        %gt3A_460 = arith.constant 0.000000e+00 : f32
        %gt3A_461 = vector.broadcast %gt3A_460 : f32 to vector<1x1xf32>
        %gt3A_462 = arith.cmpf ogt, %slice3A_459, %gt3A_461 : vector<1x1xf32>
        %jit3A_463 = arith.constant 0.000000e+00 : f32
        %jit3A_464 = arith.constant 1.000000e+00 : f32
        %broadcast_in_dim3A_465 = vector.broadcast %jit3A_463 : f32 to vector<1x1xf32>
        %broadcast_in_dim3A_466 = vector.broadcast %jit3A_464 : f32 to vector<1x1xf32>
        %select_n3A_467 = arith.select %gt3A_462, %broadcast_in_dim3A_465, %broadcast_in_dim3A_466 : vector<1x1xi1>, vector<1x1xf32>
        %slice3A_468 = vector.extract_strided_slice %slice3A_146 {offsets = [24, 0], sizes = [1, 32], strides = [1, 1]} : vector<32x32xf32> to vector<1x32xf32>
        %mul3A_469 = vector.broadcast %select_n3A_467 : vector<1x1xf32> to vector<1x32xf32>
        %mul3A_470 = arith.mulf %slice3A_468, %mul3A_469 : vector<1x32xf32>
        %max3A_471 = arith.maximumf %max3A_458, %mul3A_470 : vector<1x32xf32>
        %slice3A_472 = vector.extract_strided_slice %max3A_471 {offsets = [0, 25], sizes = [1, 1], strides = [1, 1]} : vector<1x32xf32> to vector<1x1xf32>
        %gt3A_473 = arith.constant 0.000000e+00 : f32
        %gt3A_474 = vector.broadcast %gt3A_473 : f32 to vector<1x1xf32>
        %gt3A_475 = arith.cmpf ogt, %slice3A_472, %gt3A_474 : vector<1x1xf32>
        %jit3A_476 = arith.constant 0.000000e+00 : f32
        %jit3A_477 = arith.constant 1.000000e+00 : f32
        %broadcast_in_dim3A_478 = vector.broadcast %jit3A_476 : f32 to vector<1x1xf32>
        %broadcast_in_dim3A_479 = vector.broadcast %jit3A_477 : f32 to vector<1x1xf32>
        %select_n3A_480 = arith.select %gt3A_475, %broadcast_in_dim3A_478, %broadcast_in_dim3A_479 : vector<1x1xi1>, vector<1x1xf32>
        %slice3A_481 = vector.extract_strided_slice %slice3A_146 {offsets = [25, 0], sizes = [1, 32], strides = [1, 1]} : vector<32x32xf32> to vector<1x32xf32>
        %mul3A_482 = vector.broadcast %select_n3A_480 : vector<1x1xf32> to vector<1x32xf32>
        %mul3A_483 = arith.mulf %slice3A_481, %mul3A_482 : vector<1x32xf32>
        %max3A_484 = arith.maximumf %max3A_471, %mul3A_483 : vector<1x32xf32>
        %slice3A_485 = vector.extract_strided_slice %max3A_484 {offsets = [0, 26], sizes = [1, 1], strides = [1, 1]} : vector<1x32xf32> to vector<1x1xf32>
        %gt3A_486 = arith.constant 0.000000e+00 : f32
        %gt3A_487 = vector.broadcast %gt3A_486 : f32 to vector<1x1xf32>
        %gt3A_488 = arith.cmpf ogt, %slice3A_485, %gt3A_487 : vector<1x1xf32>
        %jit3A_489 = arith.constant 0.000000e+00 : f32
        %jit3A_490 = arith.constant 1.000000e+00 : f32
        %broadcast_in_dim3A_491 = vector.broadcast %jit3A_489 : f32 to vector<1x1xf32>
        %broadcast_in_dim3A_492 = vector.broadcast %jit3A_490 : f32 to vector<1x1xf32>
        %select_n3A_493 = arith.select %gt3A_488, %broadcast_in_dim3A_491, %broadcast_in_dim3A_492 : vector<1x1xi1>, vector<1x1xf32>
        %slice3A_494 = vector.extract_strided_slice %slice3A_146 {offsets = [26, 0], sizes = [1, 32], strides = [1, 1]} : vector<32x32xf32> to vector<1x32xf32>
        %mul3A_495 = vector.broadcast %select_n3A_493 : vector<1x1xf32> to vector<1x32xf32>
        %mul3A_496 = arith.mulf %slice3A_494, %mul3A_495 : vector<1x32xf32>
        %max3A_497 = arith.maximumf %max3A_484, %mul3A_496 : vector<1x32xf32>
        %slice3A_498 = vector.extract_strided_slice %max3A_497 {offsets = [0, 27], sizes = [1, 1], strides = [1, 1]} : vector<1x32xf32> to vector<1x1xf32>
        %gt3A_499 = arith.constant 0.000000e+00 : f32
        %gt3A_500 = vector.broadcast %gt3A_499 : f32 to vector<1x1xf32>
        %gt3A_501 = arith.cmpf ogt, %slice3A_498, %gt3A_500 : vector<1x1xf32>
        %jit3A_502 = arith.constant 0.000000e+00 : f32
        %jit3A_503 = arith.constant 1.000000e+00 : f32
        %broadcast_in_dim3A_504 = vector.broadcast %jit3A_502 : f32 to vector<1x1xf32>
        %broadcast_in_dim3A_505 = vector.broadcast %jit3A_503 : f32 to vector<1x1xf32>
        %select_n3A_506 = arith.select %gt3A_501, %broadcast_in_dim3A_504, %broadcast_in_dim3A_505 : vector<1x1xi1>, vector<1x1xf32>
        %slice3A_507 = vector.extract_strided_slice %slice3A_146 {offsets = [27, 0], sizes = [1, 32], strides = [1, 1]} : vector<32x32xf32> to vector<1x32xf32>
        %mul3A_508 = vector.broadcast %select_n3A_506 : vector<1x1xf32> to vector<1x32xf32>
        %mul3A_509 = arith.mulf %slice3A_507, %mul3A_508 : vector<1x32xf32>
        %max3A_510 = arith.maximumf %max3A_497, %mul3A_509 : vector<1x32xf32>
        %slice3A_511 = vector.extract_strided_slice %max3A_510 {offsets = [0, 28], sizes = [1, 1], strides = [1, 1]} : vector<1x32xf32> to vector<1x1xf32>
        %gt3A_512 = arith.constant 0.000000e+00 : f32
        %gt3A_513 = vector.broadcast %gt3A_512 : f32 to vector<1x1xf32>
        %gt3A_514 = arith.cmpf ogt, %slice3A_511, %gt3A_513 : vector<1x1xf32>
        %jit3A_515 = arith.constant 0.000000e+00 : f32
        %jit3A_516 = arith.constant 1.000000e+00 : f32
        %broadcast_in_dim3A_517 = vector.broadcast %jit3A_515 : f32 to vector<1x1xf32>
        %broadcast_in_dim3A_518 = vector.broadcast %jit3A_516 : f32 to vector<1x1xf32>
        %select_n3A_519 = arith.select %gt3A_514, %broadcast_in_dim3A_517, %broadcast_in_dim3A_518 : vector<1x1xi1>, vector<1x1xf32>
        %slice3A_520 = vector.extract_strided_slice %slice3A_146 {offsets = [28, 0], sizes = [1, 32], strides = [1, 1]} : vector<32x32xf32> to vector<1x32xf32>
        %mul3A_521 = vector.broadcast %select_n3A_519 : vector<1x1xf32> to vector<1x32xf32>
        %mul3A_522 = arith.mulf %slice3A_520, %mul3A_521 : vector<1x32xf32>
        %max3A_523 = arith.maximumf %max3A_510, %mul3A_522 : vector<1x32xf32>
        %slice3A_524 = vector.extract_strided_slice %max3A_523 {offsets = [0, 29], sizes = [1, 1], strides = [1, 1]} : vector<1x32xf32> to vector<1x1xf32>
        %gt3A_525 = arith.constant 0.000000e+00 : f32
        %gt3A_526 = vector.broadcast %gt3A_525 : f32 to vector<1x1xf32>
        %gt3A_527 = arith.cmpf ogt, %slice3A_524, %gt3A_526 : vector<1x1xf32>
        %jit3A_528 = arith.constant 0.000000e+00 : f32
        %jit3A_529 = arith.constant 1.000000e+00 : f32
        %broadcast_in_dim3A_530 = vector.broadcast %jit3A_528 : f32 to vector<1x1xf32>
        %broadcast_in_dim3A_531 = vector.broadcast %jit3A_529 : f32 to vector<1x1xf32>
        %select_n3A_532 = arith.select %gt3A_527, %broadcast_in_dim3A_530, %broadcast_in_dim3A_531 : vector<1x1xi1>, vector<1x1xf32>
        %slice3A_533 = vector.extract_strided_slice %slice3A_146 {offsets = [29, 0], sizes = [1, 32], strides = [1, 1]} : vector<32x32xf32> to vector<1x32xf32>
        %mul3A_534 = vector.broadcast %select_n3A_532 : vector<1x1xf32> to vector<1x32xf32>
        %mul3A_535 = arith.mulf %slice3A_533, %mul3A_534 : vector<1x32xf32>
        %max3A_536 = arith.maximumf %max3A_523, %mul3A_535 : vector<1x32xf32>
        %slice3A_537 = vector.extract_strided_slice %max3A_536 {offsets = [0, 30], sizes = [1, 1], strides = [1, 1]} : vector<1x32xf32> to vector<1x1xf32>
        %gt3A_538 = arith.constant 0.000000e+00 : f32
        %gt3A_539 = vector.broadcast %gt3A_538 : f32 to vector<1x1xf32>
        %gt3A_540 = arith.cmpf ogt, %slice3A_537, %gt3A_539 : vector<1x1xf32>
        %jit3A_541 = arith.constant 0.000000e+00 : f32
        %jit3A_542 = arith.constant 1.000000e+00 : f32
        %broadcast_in_dim3A_543 = vector.broadcast %jit3A_541 : f32 to vector<1x1xf32>
        %broadcast_in_dim3A_544 = vector.broadcast %jit3A_542 : f32 to vector<1x1xf32>
        %select_n3A_545 = arith.select %gt3A_540, %broadcast_in_dim3A_543, %broadcast_in_dim3A_544 : vector<1x1xi1>, vector<1x1xf32>
        %slice3A_546 = vector.extract_strided_slice %slice3A_146 {offsets = [30, 0], sizes = [1, 32], strides = [1, 1]} : vector<32x32xf32> to vector<1x32xf32>
        %mul3A_547 = vector.broadcast %select_n3A_545 : vector<1x1xf32> to vector<1x32xf32>
        %mul3A_548 = arith.mulf %slice3A_546, %mul3A_547 : vector<1x32xf32>
        %max3A_549 = arith.maximumf %max3A_536, %mul3A_548 : vector<1x32xf32>
        %slice3A_550 = vector.extract_strided_slice %max3A_549 {offsets = [0, 31], sizes = [1, 1], strides = [1, 1]} : vector<1x32xf32> to vector<1x1xf32>
        %gt3A_551 = arith.constant 0.000000e+00 : f32
        %gt3A_552 = vector.broadcast %gt3A_551 : f32 to vector<1x1xf32>
        %gt3A_553 = arith.cmpf ogt, %slice3A_550, %gt3A_552 : vector<1x1xf32>
        %jit3A_554 = arith.constant 0.000000e+00 : f32
        %jit3A_555 = arith.constant 1.000000e+00 : f32
        %broadcast_in_dim3A_556 = vector.broadcast %jit3A_554 : f32 to vector<1x1xf32>
        %broadcast_in_dim3A_557 = vector.broadcast %jit3A_555 : f32 to vector<1x1xf32>
        %select_n3A_558 = arith.select %gt3A_553, %broadcast_in_dim3A_556, %broadcast_in_dim3A_557 : vector<1x1xi1>, vector<1x1xf32>
        %concatenate3A = tpu.concatenate %select_n3A_155, %select_n3A_168, %select_n3A_181, %select_n3A_194, %select_n3A_207, %select_n3A_220, %select_n3A_233, %select_n3A_246, %select_n3A_259, %select_n3A_272, %select_n3A_285, %select_n3A_298, %select_n3A_311, %select_n3A_324, %select_n3A_337, %select_n3A_350, %select_n3A_363, %select_n3A_376, %select_n3A_389, %select_n3A_402, %select_n3A_415, %select_n3A_428, %select_n3A_441, %select_n3A_454, %select_n3A_467, %select_n3A_480, %select_n3A_493, %select_n3A_506, %select_n3A_519, %select_n3A_532, %select_n3A_545, %select_n3A_558 in 1 : vector<1x1xf32>, vector<1x1xf32>, vector<1x1xf32>, vector<1x1xf32>, vector<1x1xf32>, vector<1x1xf32>, vector<1x1xf32>, vector<1x1xf32>, vector<1x1xf32>, vector<1x1xf32>, vector<1x1xf32>, vector<1x1xf32>, vector<1x1xf32>, vector<1x1xf32>, vector<1x1xf32>, vector<1x1xf32>, vector<1x1xf32>, vector<1x1xf32>, vector<1x1xf32>, vector<1x1xf32>, vector<1x1xf32>, vector<1x1xf32>, vector<1x1xf32>, vector<1x1xf32>, vector<1x1xf32>, vector<1x1xf32>, vector<1x1xf32>, vector<1x1xf32>, vector<1x1xf32>, vector<1x1xf32>, vector<1x1xf32>, vector<1x1xf32> -> vector<1x32xf32>
        scf.yield %concatenate3A : vector<1x32xf32>
      } else {
        %gt3A_143 = arith.constant 0.000000e+00 : f32
        %gt3A_144 = vector.broadcast %gt3A_143 : f32 to vector<1x32xf32>
        %gt3A_145 = arith.cmpf ogt, %slice3A, %gt3A_144 : vector<1x32xf32>
        %jit3A_146 = arith.constant 0.000000e+00 : f32
        %jit3A_147 = arith.constant 1.000000e+00 : f32
        %broadcast_in_dim3A_148 = vector.broadcast %jit3A_146 : f32 to vector<1x32xf32>
        %broadcast_in_dim3A_149 = vector.broadcast %jit3A_147 : f32 to vector<1x32xf32>
        %select_n3A_150 = arith.select %gt3A_145, %broadcast_in_dim3A_148, %broadcast_in_dim3A_149 : vector<1x32xi1>, vector<1x32xf32>
        scf.yield %select_n3A_150 : vector<1x32xf32>
      }
      %dot_general3A = arith.constant dense<0.000000e+00> : vector<1x1024xf32>
      %dot_general3A_136 = tpu.matmul %cond3A_135, %get3A_114, %dot_general3A {dimension_numbers = #tpu.dot_dimension_numbers<[1], [0], [0], [1], [0, 0, 1, 1], [], []>, transpose_lhs_hint = false} : vector<1x32xf32>, vector<32x1024xf32>, vector<1x1024xf32> -> vector<1x1024xf32>
      %gt3A_137 = arith.constant 0.000000e+00 : f32
      %gt3A_138 = vector.broadcast %gt3A_137 : f32 to vector<1x1024xf32>
      %gt3A_139 = arith.cmpf ogt, %dot_general3A_136, %gt3A_138 : vector<1x1024xf32>
      %jit3A_140 = arith.constant 1.000000e+00 : f32
      %broadcast_in_dim3A_141 = vector.broadcast %jit3A_140 : f32 to vector<1x1024xf32>
      %select_n3A_142 = arith.select %gt3A_139, %broadcast_in_dim3A_141, %scan3A_109 : vector<1x1024xi1>, vector<1x1024xf32>
      scf.yield %select_n3A_142 : vector<1x1024xf32>
    }
    %scan3A_90 = arith.constant 32 : i32
    %swap3A_91 = arith.constant 0 : index
    %swap3A_92 = arith.index_cast %mul3A_2 : i32 to index
    %swap3A_93 = vector.load %arg11[%swap3A_91, %swap3A_92] : memref<1x20480xf32, #tpu.memory_space<vmem>>, vector<1x1024xf32>
    tpu.vector_store %arg11[%swap3A_91, %swap3A_92], %scan3A_89 {strides = array<i32>} : memref<1x20480xf32, #tpu.memory_space<vmem>>, vector<1x1024xf32>,
    %sub3A_94 = arith.constant 1.000000e+00 : f32
    %sub3A_95 = vector.broadcast %sub3A_94 : f32 to vector<1x1024xf32>
    %sub3A_96 = arith.subf %sub3A_95, %scan3A_89 : vector<1x1024xf32>
    %add3A_97 = arith.constant 1 : i32
    %add3A_98 = arith.addi %arg0, %add3A_97 : i32
    %while3A = arith.constant 0 : i32
    %while3A_99 = arith.constant 20 : i32
    %while3A_100 = arith.subi %while3A_99, %add3A_98 : i32
    %while3A_101 = arith.addi %add3A_98, %while3A_100 : i32
    %while3A_102 = arith.constant 1 : i32
    %while3A_103 = arith.divsi %while3A_100, %while3A_102 : i32
    %while3A_104 = arith.muli %while3A_103, %while3A_102 : i32
    %while3A_105 = arith.addi %add3A_98, %while3A_104 : i32
    %while3A_106 = arith.constant 1 : i32
    scf.for %while3A_108 = %add3A_98 to %while3A_105 step %while3A_106  : i32 {
      %mul3A_109 = arith.constant 1024 : i32
      %mul3A_110 = arith.muli %while3A_108, %mul3A_109 : i32
      %get3A_111 = arith.constant 0 : index
      %get3A_112 = arith.index_cast %mul3A_110 : i32 to index
      %get3A_113 = vector.load %arg1[%get3A_111, %get3A_112] : memref<1x20480xf32, #tpu.memory_space<vmem>>, vector<1x1024xf32>
      %get3A_114 = arith.constant 0 : index
      %get3A_115 = arith.index_cast %mul3A_110 : i32 to index
      %get3A_116 = vector.load %arg2[%get3A_114, %get3A_115] : memref<1x20480xf32, #tpu.memory_space<vmem>>, vector<1x1024xf32>
      %get3A_117 = arith.constant 0 : index
      %get3A_118 = arith.index_cast %mul3A_110 : i32 to index
      %get3A_119 = vector.load %arg3[%get3A_117, %get3A_118] : memref<1x20480xf32, #tpu.memory_space<vmem>>, vector<1x1024xf32>
      %get3A_120 = arith.constant 0 : index
      %get3A_121 = arith.index_cast %mul3A_110 : i32 to index
      %get3A_122 = vector.load %arg4[%get3A_120, %get3A_121] : memref<1x20480xf32, #tpu.memory_space<vmem>>, vector<1x1024xf32>
      %get3A_123 = arith.constant 0 : index
      %get3A_124 = arith.index_cast %mul3A_110 : i32 to index
      %get3A_125 = vector.load %arg5[%get3A_123, %get3A_124] : memref<1x20480xf32, #tpu.memory_space<vmem>>, vector<1x1024xf32>
      %max3A_126 = vector.broadcast %get3A_6 : vector<1024x1xf32> to vector<1024x1024xf32>
      %max3A_127 = vector.broadcast %get3A_113 : vector<1x1024xf32> to vector<1024x1024xf32>
      %max3A_128 = arith.maximumf %max3A_126, %max3A_127 : vector<1024x1024xf32>
      %max3A_129 = vector.broadcast %get3A_11 : vector<1024x1xf32> to vector<1024x1024xf32>
      %max3A_130 = vector.broadcast %get3A_116 : vector<1x1024xf32> to vector<1024x1024xf32>
      %max3A_131 = arith.maximumf %max3A_129, %max3A_130 : vector<1024x1024xf32>
      %min3A_132 = vector.broadcast %get3A_16 : vector<1024x1xf32> to vector<1024x1024xf32>
      %min3A_133 = vector.broadcast %get3A_119 : vector<1x1024xf32> to vector<1024x1024xf32>
      %min3A_134 = arith.minimumf %min3A_132, %min3A_133 : vector<1024x1024xf32>
      %min3A_135 = vector.broadcast %get3A_21 : vector<1024x1xf32> to vector<1024x1024xf32>
      %min3A_136 = vector.broadcast %get3A_122 : vector<1x1024xf32> to vector<1024x1024xf32>
      %min3A_137 = arith.minimumf %min3A_135, %min3A_136 : vector<1024x1024xf32>
      %sub3A_138 = arith.subf %min3A_134, %max3A_128 : vector<1024x1024xf32>
      %add3A_139 = arith.constant 1.000000e+00 : f32
      %add3A_140 = vector.broadcast %add3A_139 : f32 to vector<1024x1024xf32>
      %add3A_141 = arith.addf %sub3A_138, %add3A_140 : vector<1024x1024xf32>
      %max3A_142 = arith.constant 0.000000e+00 : f32
      %max3A_143 = vector.broadcast %max3A_142 : f32 to vector<1024x1024xf32>
      %max3A_144 = arith.maximumf %max3A_143, %add3A_141 : vector<1024x1024xf32>
      %sub3A_145 = arith.subf %min3A_137, %max3A_131 : vector<1024x1024xf32>
      %add3A_146 = arith.constant 1.000000e+00 : f32
      %add3A_147 = vector.broadcast %add3A_146 : f32 to vector<1024x1024xf32>
      %add3A_148 = arith.addf %sub3A_145, %add3A_147 : vector<1024x1024xf32>
      %max3A_149 = arith.constant 0.000000e+00 : f32
      %max3A_150 = vector.broadcast %max3A_149 : f32 to vector<1024x1024xf32>
      %max3A_151 = arith.maximumf %max3A_150, %add3A_148 : vector<1024x1024xf32>
      %mul3A_152 = arith.mulf %max3A_144, %max3A_151 : vector<1024x1024xf32>
      %add3A_153 = vector.broadcast %get3A_26 : vector<1024x1xf32> to vector<1024x1024xf32>
      %add3A_154 = vector.broadcast %get3A_125 : vector<1x1024xf32> to vector<1024x1024xf32>
      %add3A_155 = arith.addf %add3A_153, %add3A_154 : vector<1024x1024xf32>
      %sub3A_156 = arith.subf %add3A_155, %mul3A_152 : vector<1024x1024xf32>
      %div3A_157 = arith.divf %mul3A_152, %sub3A_156 : vector<1024x1024xf32>
      %gt3A_158 = arith.constant 3.000000e-01 : f32
      %gt3A_159 = vector.broadcast %gt3A_158 : f32 to vector<1024x1024xf32>
      %gt3A_160 = arith.cmpf ogt, %div3A_157, %gt3A_159 : vector<1024x1024xf32>
      %eq3A_161 = vector.broadcast %get3A_26 : vector<1024x1xf32> to vector<1024x1024xf32>
      %eq3A_162 = arith.cmpf oeq, %eq3A_161, %mul3A_152 : vector<1024x1024xf32>
      %or3A_163 = arith.ori %gt3A_160, %eq3A_162 : vector<1024x1024xi1>
      %eq3A_164 = vector.broadcast %get3A_125 : vector<1x1024xf32> to vector<1024x1024xf32>
      %eq3A_165 = arith.cmpf oeq, %eq3A_164, %mul3A_152 : vector<1024x1024xf32>
      %or3A_166 = arith.ori %or3A_163, %eq3A_165 : vector<1024x1024xi1>
      %jit3A_167 = arith.constant 1.000000e+00 : f32
      %jit3A_168 = arith.constant 0.000000e+00 : f32
      %broadcast_in_dim3A_169 = vector.broadcast %jit3A_167 : f32 to vector<1024x1024xf32>
      %broadcast_in_dim3A_170 = vector.broadcast %jit3A_168 : f32 to vector<1024x1024xf32>
      %select_n3A_171 = arith.select %or3A_166, %broadcast_in_dim3A_169, %broadcast_in_dim3A_170 : vector<1024x1024xi1>, vector<1024x1024xf32>
      %dot_general3A = arith.constant dense<0.000000e+00> : vector<1x1024xf32>
      %dot_general3A_172 = tpu.matmul %sub3A_96, %select_n3A_171, %dot_general3A {dimension_numbers = #tpu.dot_dimension_numbers<[1], [0], [0], [1], [0, 0, 1, 1], [], []>, transpose_lhs_hint = false} : vector<1x1024xf32>, vector<1024x1024xf32>, vector<1x1024xf32> -> vector<1x1024xf32>
      %get3A_173 = arith.constant 0 : index
      %get3A_174 = arith.index_cast %mul3A_110 : i32 to index
      %get3A_175 = vector.load %arg11[%get3A_173, %get3A_174] : memref<1x20480xf32, #tpu.memory_space<vmem>>, vector<1x1024xf32>
      %gt3A_176 = arith.constant 0.000000e+00 : f32
      %gt3A_177 = vector.broadcast %gt3A_176 : f32 to vector<1x1024xf32>
      %gt3A_178 = arith.cmpf ogt, %dot_general3A_172, %gt3A_177 : vector<1x1024xf32>
      %jit3A_179 = arith.constant 1.000000e+00 : f32
      %broadcast_in_dim3A_180 = vector.broadcast %jit3A_179 : f32 to vector<1x1024xf32>
      %select_n3A_181 = arith.select %gt3A_178, %broadcast_in_dim3A_180, %get3A_175 : vector<1x1024xi1>, vector<1x1024xf32>
      %swap3A_182 = arith.constant 0 : index
      %swap3A_183 = arith.index_cast %mul3A_110 : i32 to index
      %swap3A_184 = vector.load %arg11[%swap3A_182, %swap3A_183] : memref<1x20480xf32, #tpu.memory_space<vmem>>, vector<1x1024xf32>
      tpu.vector_store %arg11[%swap3A_182, %swap3A_183], %select_n3A_181 {strides = array<i32>} : memref<1x20480xf32, #tpu.memory_space<vmem>>, vector<1x1024xf32>,
    }
    %while3A_107 = arith.constant 1 : i32
    scf.for %while3A_108 = %while3A_105 to %while3A_101 step %while3A_107  : i32 {
      %mul3A_109 = arith.constant 1024 : i32
      %mul3A_110 = arith.muli %while3A_108, %mul3A_109 : i32
      %get3A_111 = arith.constant 0 : index
      %get3A_112 = arith.index_cast %mul3A_110 : i32 to index
      %get3A_113 = vector.load %arg1[%get3A_111, %get3A_112] : memref<1x20480xf32, #tpu.memory_space<vmem>>, vector<1x1024xf32>
      %get3A_114 = arith.constant 0 : index
      %get3A_115 = arith.index_cast %mul3A_110 : i32 to index
      %get3A_116 = vector.load %arg2[%get3A_114, %get3A_115] : memref<1x20480xf32, #tpu.memory_space<vmem>>, vector<1x1024xf32>
      %get3A_117 = arith.constant 0 : index
      %get3A_118 = arith.index_cast %mul3A_110 : i32 to index
      %get3A_119 = vector.load %arg3[%get3A_117, %get3A_118] : memref<1x20480xf32, #tpu.memory_space<vmem>>, vector<1x1024xf32>
      %get3A_120 = arith.constant 0 : index
      %get3A_121 = arith.index_cast %mul3A_110 : i32 to index
      %get3A_122 = vector.load %arg4[%get3A_120, %get3A_121] : memref<1x20480xf32, #tpu.memory_space<vmem>>, vector<1x1024xf32>
      %get3A_123 = arith.constant 0 : index
      %get3A_124 = arith.index_cast %mul3A_110 : i32 to index
      %get3A_125 = vector.load %arg5[%get3A_123, %get3A_124] : memref<1x20480xf32, #tpu.memory_space<vmem>>, vector<1x1024xf32>
      %max3A_126 = vector.broadcast %get3A_6 : vector<1024x1xf32> to vector<1024x1024xf32>
      %max3A_127 = vector.broadcast %get3A_113 : vector<1x1024xf32> to vector<1024x1024xf32>
      %max3A_128 = arith.maximumf %max3A_126, %max3A_127 : vector<1024x1024xf32>
      %max3A_129 = vector.broadcast %get3A_11 : vector<1024x1xf32> to vector<1024x1024xf32>
      %max3A_130 = vector.broadcast %get3A_116 : vector<1x1024xf32> to vector<1024x1024xf32>
      %max3A_131 = arith.maximumf %max3A_129, %max3A_130 : vector<1024x1024xf32>
      %min3A_132 = vector.broadcast %get3A_16 : vector<1024x1xf32> to vector<1024x1024xf32>
      %min3A_133 = vector.broadcast %get3A_119 : vector<1x1024xf32> to vector<1024x1024xf32>
      %min3A_134 = arith.minimumf %min3A_132, %min3A_133 : vector<1024x1024xf32>
      %min3A_135 = vector.broadcast %get3A_21 : vector<1024x1xf32> to vector<1024x1024xf32>
      %min3A_136 = vector.broadcast %get3A_122 : vector<1x1024xf32> to vector<1024x1024xf32>
      %min3A_137 = arith.minimumf %min3A_135, %min3A_136 : vector<1024x1024xf32>
      %sub3A_138 = arith.subf %min3A_134, %max3A_128 : vector<1024x1024xf32>
      %add3A_139 = arith.constant 1.000000e+00 : f32
      %add3A_140 = vector.broadcast %add3A_139 : f32 to vector<1024x1024xf32>
      %add3A_141 = arith.addf %sub3A_138, %add3A_140 : vector<1024x1024xf32>
      %max3A_142 = arith.constant 0.000000e+00 : f32
      %max3A_143 = vector.broadcast %max3A_142 : f32 to vector<1024x1024xf32>
      %max3A_144 = arith.maximumf %max3A_143, %add3A_141 : vector<1024x1024xf32>
      %sub3A_145 = arith.subf %min3A_137, %max3A_131 : vector<1024x1024xf32>
      %add3A_146 = arith.constant 1.000000e+00 : f32
      %add3A_147 = vector.broadcast %add3A_146 : f32 to vector<1024x1024xf32>
      %add3A_148 = arith.addf %sub3A_145, %add3A_147 : vector<1024x1024xf32>
      %max3A_149 = arith.constant 0.000000e+00 : f32
      %max3A_150 = vector.broadcast %max3A_149 : f32 to vector<1024x1024xf32>
      %max3A_151 = arith.maximumf %max3A_150, %add3A_148 : vector<1024x1024xf32>
      %mul3A_152 = arith.mulf %max3A_144, %max3A_151 : vector<1024x1024xf32>
      %add3A_153 = vector.broadcast %get3A_26 : vector<1024x1xf32> to vector<1024x1024xf32>
      %add3A_154 = vector.broadcast %get3A_125 : vector<1x1024xf32> to vector<1024x1024xf32>
      %add3A_155 = arith.addf %add3A_153, %add3A_154 : vector<1024x1024xf32>
      %sub3A_156 = arith.subf %add3A_155, %mul3A_152 : vector<1024x1024xf32>
      %div3A_157 = arith.divf %mul3A_152, %sub3A_156 : vector<1024x1024xf32>
      %gt3A_158 = arith.constant 3.000000e-01 : f32
      %gt3A_159 = vector.broadcast %gt3A_158 : f32 to vector<1024x1024xf32>
      %gt3A_160 = arith.cmpf ogt, %div3A_157, %gt3A_159 : vector<1024x1024xf32>
      %eq3A_161 = vector.broadcast %get3A_26 : vector<1024x1xf32> to vector<1024x1024xf32>
      %eq3A_162 = arith.cmpf oeq, %eq3A_161, %mul3A_152 : vector<1024x1024xf32>
      %or3A_163 = arith.ori %gt3A_160, %eq3A_162 : vector<1024x1024xi1>
      %eq3A_164 = vector.broadcast %get3A_125 : vector<1x1024xf32> to vector<1024x1024xf32>
      %eq3A_165 = arith.cmpf oeq, %eq3A_164, %mul3A_152 : vector<1024x1024xf32>
      %or3A_166 = arith.ori %or3A_163, %eq3A_165 : vector<1024x1024xi1>
      %jit3A_167 = arith.constant 1.000000e+00 : f32
      %jit3A_168 = arith.constant 0.000000e+00 : f32
      %broadcast_in_dim3A_169 = vector.broadcast %jit3A_167 : f32 to vector<1024x1024xf32>
      %broadcast_in_dim3A_170 = vector.broadcast %jit3A_168 : f32 to vector<1024x1024xf32>
      %select_n3A_171 = arith.select %or3A_166, %broadcast_in_dim3A_169, %broadcast_in_dim3A_170 : vector<1024x1024xi1>, vector<1024x1024xf32>
      %dot_general3A = arith.constant dense<0.000000e+00> : vector<1x1024xf32>
      %dot_general3A_172 = tpu.matmul %sub3A_96, %select_n3A_171, %dot_general3A {dimension_numbers = #tpu.dot_dimension_numbers<[1], [0], [0], [1], [0, 0, 1, 1], [], []>, transpose_lhs_hint = false} : vector<1x1024xf32>, vector<1024x1024xf32>, vector<1x1024xf32> -> vector<1x1024xf32>
      %get3A_173 = arith.constant 0 : index
      %get3A_174 = arith.index_cast %mul3A_110 : i32 to index
      %get3A_175 = vector.load %arg11[%get3A_173, %get3A_174] : memref<1x20480xf32, #tpu.memory_space<vmem>>, vector<1x1024xf32>
      %gt3A_176 = arith.constant 0.000000e+00 : f32
      %gt3A_177 = vector.broadcast %gt3A_176 : f32 to vector<1x1024xf32>
      %gt3A_178 = arith.cmpf ogt, %dot_general3A_172, %gt3A_177 : vector<1x1024xf32>
      %jit3A_179 = arith.constant 1.000000e+00 : f32
      %broadcast_in_dim3A_180 = vector.broadcast %jit3A_179 : f32 to vector<1x1024xf32>
      %select_n3A_181 = arith.select %gt3A_178, %broadcast_in_dim3A_180, %get3A_175 : vector<1x1024xi1>, vector<1x1024xf32>
      %swap3A_182 = arith.constant 0 : index
      %swap3A_183 = arith.index_cast %mul3A_110 : i32 to index
      %swap3A_184 = vector.load %arg11[%swap3A_182, %swap3A_183] : memref<1x20480xf32, #tpu.memory_space<vmem>>, vector<1x1024xf32>
      tpu.vector_store %arg11[%swap3A_182, %swap3A_183], %select_n3A_181 {strides = array<i32>} : memref<1x20480xf32, #tpu.memory_space<vmem>>, vector<1x1024xf32>,
    }
    return
  }
  func.func @transform_0(%arg0: i32) -> (i32, i32) {
    %c0_i32 = arith.constant 0 : i32
    %c0_i32_0 = arith.constant 0 : i32
    %c0_i32_1 = arith.constant 0 : i32
    return %c0_i32, %c0_i32_0 : i32, i32
  }
  func.func @transform_1(%arg0: i32) -> (i32, i32) {
    %c0_i32 = arith.constant 0 : i32
    %c0_i32_0 = arith.constant 0 : i32
    %c0_i32_1 = arith.constant 0 : i32
    return %c0_i32, %c0_i32_0 : i32, i32
  }
  func.func @transform_2(%arg0: i32) -> (i32, i32) {
    %c0_i32 = arith.constant 0 : i32
    %c0_i32_0 = arith.constant 0 : i32
    %c0_i32_1 = arith.constant 0 : i32
    return %c0_i32, %c0_i32_0 : i32, i32
  }
  func.func @transform_3(%arg0: i32) -> (i32, i32) {
    %c0_i32 = arith.constant 0 : i32
    %c0_i32_0 = arith.constant 0 : i32
    %c0_i32_1 = arith.constant 0 : i32
    return %c0_i32, %c0_i32_0 : i32, i32
  }
  func.func @transform_4(%arg0: i32) -> (i32, i32) {
    %c0_i32 = arith.constant 0 : i32
    %c0_i32_0 = arith.constant 0 : i32
    %c0_i32_1 = arith.constant 0 : i32
    return %c0_i32, %c0_i32_0 : i32, i32
  }
  func.func @transform_5(%arg0: i32) -> (i32, i32, i32) {
    %c0_i32 = arith.constant 0 : i32
    %c0_i32_0 = arith.constant 0 : i32
    %c0_i32_1 = arith.constant 0 : i32
    return %arg0, %c0_i32, %c0_i32_0 : i32, i32, i32
  }
  func.func @transform_6(%arg0: i32) -> (i32, i32, i32) {
    %c0_i32 = arith.constant 0 : i32
    %c0_i32_0 = arith.constant 0 : i32
    %c0_i32_1 = arith.constant 0 : i32
    return %arg0, %c0_i32, %c0_i32_0 : i32, i32, i32
  }
  func.func @transform_7(%arg0: i32) -> (i32, i32, i32) {
    %c0_i32 = arith.constant 0 : i32
    %c0_i32_0 = arith.constant 0 : i32
    %c0_i32_1 = arith.constant 0 : i32
    return %arg0, %c0_i32, %c0_i32_0 : i32, i32, i32
  }
  func.func @transform_8(%arg0: i32) -> (i32, i32, i32) {
    %c0_i32 = arith.constant 0 : i32
    %c0_i32_0 = arith.constant 0 : i32
    %c0_i32_1 = arith.constant 0 : i32
    return %arg0, %c0_i32, %c0_i32_0 : i32, i32, i32
  }
  func.func @transform_9(%arg0: i32) -> (i32, i32, i32) {
    %c0_i32 = arith.constant 0 : i32
    %c0_i32_0 = arith.constant 0 : i32
    %c0_i32_1 = arith.constant 0 : i32
    return %arg0, %c0_i32, %c0_i32_0 : i32, i32, i32
  }
  func.func @transform_10(%arg0: i32) -> (i32, i32) {
    %c0_i32 = arith.constant 0 : i32
    %c0_i32_0 = arith.constant 0 : i32
    %c0_i32_1 = arith.constant 0 : i32
    return %c0_i32, %c0_i32_0 : i32, i32
  }
}

</mosaic_0001>

<sc_bundles>
// kernel: gather_offload_async_start.1
scs
__scs_entry_jumppad:
0x0: {  	(pc) =	sbr.rel $0x88, $3  }
0x1: {  	(tag) =	ssettag $0x0;
	lr =	simm.s32 $0x1  }
0x2: {  	[smem:$0x3F9F] =	sst lr;
	_ =	strace $0xD0000000  }
0x3: {  	_ = 	snop  }
0x4: {  	_ = 	snop  }
0x5: {  	_ = 	snop  }
0x6: {  	_ = 	snop  }
0x7: {  	_ = 	snop  }
__scs_overlays_trampoline_lowered:
0x8: {  	[smem:$0x3FAE] =	sst s0  }
0x9: {  	[smem:$0x3FAF] =	sst s1  }
0xa: {  	[smem:$0x3FB0] =	sst s2  }
0xb: {  	[smem:$0x3FB1] =	sst s3  }
0xc: {  	[smem:$0x3FB2] =	sst s4  }
0xd: {  	[smem:$0x3FB3] =	sst s5  }
0xe: {  	[smem:$0x3FB4] =	sst s6  }
0xf: {  	[smem:$0x3FB5] =	sst s7  }
0x10: {  	[smem:$0x3FB6] =	sst s8  }
0x11: {  	[smem:$0x3FB7] =	sst s9;
	s0 =	simm.s32 @!p0 $0x0  }
0x12: {  	s1 =	sld [smem:$0x3F9D];
	s0 =	simm.s32 @p0 $0x1  }
0x13: {  	[smem:$0x3FB8] =	sst s0;
	s0 =	simm.s32 @!p1 $0x0  }
0x14: {  	s2 =	sld [smem:$0x3F9C];
	s0 =	simm.s32 @p1 $0x1  }
0x15: {  	[smem:$0x3FB9] =	sst s0;
	s0 =	simm.s32 @!p2 $0x0  }
0x16: {  	s3 =	sld [smem:$0x3FDB];
	s0 =	simm.s32 @p2 $0x1  }
0x17: {  	s4 =	simm.s32 $0x1BF5;
	[smem:$0x3FBB] =	sst s0  }
0x18: {  	s0 =	sld [smem:$0x3F9E];
	_ =	swait.ge [sflag:s4], $0x0  }
0x19: {  	s7 =	sld [smem:$0x3F9F]  }
0x1a: {  	s8 =	sadd.s32 $0xFFFFE003, lr  }
0x1b: {  	s9 =	sadd.s32 $0xFFFFFEF7, lr;
	s5 =	simm.s32 $0xFFFFFFFF;
	p2 =	slt.u32 s8, $0xFFFFF086  }
0x1c: {  	p1 =	slt.u32 s9, $0xF7A;
	s5 =	simm.s32 @!p2 $0x0  }
0x1d: {  	s5 =	simm.s32 @p1 $0x1;
	p0 =	seq.s32 s7, s2  }
0x1e: {  	s7 =	smul.u32 @!p0 $0xF7A, s2;
	p2 =	seq.s32 @!p0 s5, $0x0  }
0x1f: {  	s9 =	smul.u32 $0xF7A, s1;
	s8 =	simm.s32 @!p0 $0x1BF5;
	p2 =	por !p2, p0  }
0x20: {  	[sflag:s8] =	ssyncset.s32 @!p0 $0xFFFFF086;
	s6 =	sadd.s32 @!p0 s3, s7;
	s7 =	simm.s32 @!p0 $0x108  }
0x21: {  	s3 =	sadd.s32 s3, s9;
	s6 =	sadd.s32 @!p0 $0x88, s6;
	s7 =	simm.s32 @p2 $0x1082  }
0x22: {  	[simem:s7], [sflag:s8] =	dma.local @!p0 [hbm:s6], $0xF7A  }
0x23: {  	s9 =	sor.u32 $0xD0000000, s2;
	s6 =	simm.s32 $0x108;
	_ =	swait.ge @!p0 [sflag:s8], $0x0  }
0x24: {  	s3 =	sadd.s32 $0x88, s3;
	s6 =	simm.s32 @!p1 $0x1082;
	[sflag:s4] =	ssyncset.s32 $0xFFFFF086  }
0x25: {  	[simem:s6], [sflag:s4] =	dma.local [hbm:s3], $0xF7A  }
0x26: {  	[smem:$0x3F9F] =	sst s1;
	(tag) =	ssettag s2;
	_ =	strace s9  }
0x27: {  	s1 =	sld [smem:$0x3FAF]  }
0x28: {  	s2 =	sld [smem:$0x3FB0]  }
0x29: {  	s4 =	sld [smem:$0x3FB2]  }
0x2a: {  	p0 =	seq.s32 s5, $0x0;
	s5 =	sld [smem:$0x3FB3]  }
0x2b: {  	s6 =	sld [smem:$0x3FB4]  }
0x2c: {  	s7 =	sld [smem:$0x3FB5]  }
0x2d: {  	s3 =	simm.s32 $0x108;
	s8 =	sld [smem:$0x3FB6]  }
0x2e: {  	s3 =	simm.s32 @!p0 $0x1082;
	s9 =	sld [smem:$0x3FB7]  }
0x2f: {  	lr =	sadd.s32 s0, s3;
	s0 =	sld [smem:$0x3FAE]  }
0x30: {  	s3 =	sld [smem:$0x3FB1]  }
0x31: {  	[smem:$0x3FBA] =	sst s10  }
0x32: {  	s10 =	sld [smem:$0x3FB8];
	_ =	sdelay $0x3  }
0x33: {  	p0 =	seq.s32 s10, $0x1;
	s10 =	sld [smem:$0x3FBA];
	_ =	sdelay $0x3  }
0x34: {  	[smem:$0x3FBA] =	sst s10  }
0x35: {  	s10 =	sld [smem:$0x3FB9];
	_ =	sdelay $0x3  }
0x36: {  	p1 =	seq.s32 s10, $0x1;
	s10 =	sld [smem:$0x3FBA];
	_ =	sdelay $0x3  }
0x37: {  	[smem:$0x3FBA] =	sst s10  }
0x38: {  	s10 =	sld [smem:$0x3FBB]  }
0x39: {  	_ = 	snop;
	(pc) =	sbr.ind lr, $3  }
0x3a: {  	_ = 	snop  }
0x3b: {  	_ = 	snop  }
0x3c: {  	p2 =	seq.s32 s10, $0x1;
	s10 =	sld [smem:$0x3FBA]  }
0x3d: {  	_ =	shalt  }
0x3e: {  	_ =	shalt  }
0x3f: {  	_ =	shalt  }
0x40: {  	_ =	shalt  }
0x41: {  	_ =	shalt  }
0x42: {  	_ =	shalt  }
0x43: {  	_ =	shalt  }
0x44: {  	_ =	shalt  }
0x45: {  	_ =	shalt  }
0x46: {  	_ =	shalt  }
0x47: {  	_ =	shalt  }
0x48: {  	_ =	shalt  }
0x49: {  	_ =	shalt  }
0x4a: {  	_ =	shalt  }
0x4b: {  	_ =	shalt  }
0x4c: {  	_ =	shalt  }
0x4d: {  	_ =	shalt  }
0x4e: {  	_ =	shalt  }
0x4f: {  	_ =	shalt  }
0x50: {  	_ =	shalt  }
0x51: {  	_ =	shalt  }
0x52: {  	_ =	shalt  }
0x53: {  	_ =	shalt  }
0x54: {  	_ =	shalt  }
0x55: {  	_ =	shalt  }
0x56: {  	_ =	shalt  }
0x57: {  	_ =	shalt  }
0x58: {  	_ =	shalt  }
0x59: {  	_ =	shalt  }
0x5a: {  	_ =	shalt  }
0x5b: {  	_ =	shalt  }
0x5c: {  	_ =	shalt  }
0x5d: {  	_ =	shalt  }
0x5e: {  	_ =	shalt  }
0x5f: {  	_ =	shalt  }
0x60: {  	_ =	shalt  }
0x61: {  	_ =	shalt  }
0x62: {  	_ =	shalt  }
0x63: {  	_ =	shalt  }
0x64: {  	_ =	shalt  }
0x65: {  	_ =	shalt  }
0x66: {  	_ =	shalt  }
0x67: {  	_ =	shalt  }
0x68: {  	_ =	shalt  }
0x69: {  	_ =	shalt  }
0x6a: {  	_ =	shalt  }
0x6b: {  	_ =	shalt  }
0x6c: {  	_ =	shalt  }
0x6d: {  	_ =	shalt  }
0x6e: {  	_ =	shalt  }
0x6f: {  	_ =	shalt  }
0x70: {  	_ =	shalt  }
0x71: {  	_ =	shalt  }
0x72: {  	_ =	shalt  }
0x73: {  	_ =	shalt  }
0x74: {  	_ =	shalt  }
0x75: {  	_ =	shalt  }
0x76: {  	_ =	shalt  }
0x77: {  	_ =	shalt  }
0x78: {  	_ =	shalt  }
0x79: {  	_ =	shalt  }
0x7a: {  	_ =	shalt  }
0x7b: {  	_ =	shalt  }
0x7c: {  	_ =	shalt  }
0x7d: {  	_ =	shalt  }
0x7e: {  	_ =	shalt  }
0x7f: {  	_ =	shalt  }
0x80: {  	_ =	shalt  }
0x81: {  	_ =	shalt  }
0x82: {  	_ =	shalt  }
0x83: {  	_ =	shalt  }
0x84: {  	_ =	shalt  }
0x85: {  	_ =	shalt  }
0x86: {  	_ =	shalt  }
0x87: {  	_ =	shalt  }
.Lfunc_end0:
.L_simem_size_0:
called_computation.1_lowered:
.L_overlay_start_0:
0x88: {  	s2 =	sld [smem:$0x3FD9]  }
0x89: {  	s3 =	sld [smem:$0x3FFE];
	_ =	sdelay $0x1  }
0x8a: {  	s1 =	srdreg.scid  }
0x8b: {  	s0 =	sand.u32 $0x1, s1  }
0x8c: {  	s17 =	sshll.u32 s0, $0xA;
	s2 =	sadd.s32 s3, s2  }
0x8d: {  	s2 =	sadd.s32 s2, s17  }
0x8e: {  	[smem:$0x3FC6] =	sst s2  }
0x8f: {  	_ = 	snop  }
0x90: {  	s2 =	sld [smem:$0x3FC8]  }
0x91: {  	s18 =	sld [smem:$0x3FD0];
	(tm) =	ssettm $0x1  }
0x92: {  	s4 =	sld [smem:$0x3FFB];
	_ =	sdelay $0x3  }
0x93: {  	_ =	strace s4  }
0x94: {  	s4 =	sld [smem:$0x3FFC];
	_ =	sdelay $0x3  }
0x95: {  	_ =	strace s4  }
0x96: {  	s4 =	sld [smem:$0x3FFD];
	_ =	sdelay $0x3  }
0x97: {  	_ =	strace s4  }
0x98: {  	_ =	strace $0x8FFFFFFF  }
0x99: {  	s19 =	sld [smem:$0x3FDB];
	_ =	sdelay $0x1  }
0x9a: {  	s5 =	simm.s32 $_scs_section_size  }
0x9b: {  	s6 =	simm.s32 $_size__tile_overlayer_lowered;
	s7 =	simm.s32 $_tile_overlayer_lowered  }
0x9c: {  	s22 =	simm.s32 $0x1BFF;
	s21 =	sshll.u32 s7, $0x1;
	s4 =	sadd.s32 s5, s19  }
0x9d: {  	s8 =	simm.s32 $0x0;
	s20 =	sshll.u32 s6, $0x1;
	s6 =	sadd.s32 s21, s4  }
0x9e: {  	[timem:s8], [sflag:s22] =	dma.local [hbm:s6], s20  }
0x9f: {  	_ =	swait.ge [sflag:s22], s20  }
0xa0: {  	s5 =	ssub.s32 $0x0, s20;
	[sflag:s22] =	ssyncset.done $0x0  }
0xa1: {  	[sflag:s22] =	ssyncadd.s32 s5;
	_ =	sdelay $0x1  }
0xa2: {  	s23 =	simm.s32 $0x1B8B  }
0xa3: {  	_ =	swait.ge [sflag:s23], $0x1  }
0xa4: {  	[sflag:s23] =	ssyncset.done $0x0  }
0xa5: {  	s25 =	simm.s32 $0x1B8E;
	s24 =	sld [smem:$0x3FFE];
	[sflag:s23] =	ssyncadd.s32 $0xFFFFFFFF  }
0xa6: {  	s26 =	simm.s32 $execute0_lowered;
	[smem:$0x3FD2] =	sst s25  }
0xa7: {  	s6 =	sshll.u32 s26, $0x1;
	_ =	strace $0x80000049;
	[dreg:$0x1] =	wrdreg $0xFFFFFFFF  }
0xa8: {  	s28 =	simm.s32 $_size_execute0_lowered;
	s4 =	sadd.s32 s4, s6;
	[dreg:$0x0] =	wrdreg $0x0  }
0xa9: {  	s6 =	sshll.u32 s28, $0x1;
	[dreg:$0x2] =	wrdreg s4  }
0xaa: {  	[dreg:$0x3] =	wrdreg s6  }
0xab: {  	[dreg:$0x4] =	wrdreg $0xC0  }
0xac: {  	_ =	task [dreg:s8], $0x5FFFF  }
0xad: {  	[dreg:$0x1] =	wrdreg $0xFFFFFFFF  }
0xae: {  	[dreg:$0x0] =	wrdreg $0x60  }
0xaf: {  	[dreg:$0x2] =	wrdreg s2  }
0xb0: {  	[dreg:$0x3] =	wrdreg s18  }
0xb1: {  	[dreg:$0x4] =	wrdreg s24  }
0xb2: {  	[dreg:$0x5] =	wrdreg $0x9  }
0xb3: {  	_ =	task.clear_ibuf [dreg:s8], $0x6FFFF;
	_ =	strace $0x90000049  }
0xb4: {  	s29 =	simm.s32 $0x9;
	_ =	strace $0x8000004B  }
0xb5: {  	_ =	swait.ge [sflag:s29], $0x1  }
0xb6: {  	[sflag:s29] =	ssyncadd.s32 $0xFFFFFFFF  }
0xb7: {  	_ =	strace $0x9000004B  }
0xb8: {  	_ =	sfence  }
0xb9: {  	s30 =	sld [smem:$0x0];
	_ =	sdelay $0x2  }
0xba: {  	s31 =	sshll.u32 s1, $0xD;
	s1 =	sshrl.u32 s1, $0x2  }
0xbb: {  	s3 =	sand.u32 $0x4000, s31;
	s1 =	sadd.s32 s1, s30  }
0xbc: {  	s0 =	sor.u32 s3, s0;
	s1 =	sshll.u32 s1, $0x11  }
0xbd: {  	s0 =	sor.u32 s1, s0  }
0xbe: {  	s0 =	sadd.s32 $0x8F2B, s0  }
0xbf: {  	[sflag:s0] =	ssyncadd.remote.s32 $0x1  }
0xc0: {  	_ =	sfence.sel $0xFFFF  }
0xc1: {  	[dreg:$0x0] =	wrdreg $0xFFFFFFFF;
	(pc) =	sbr.abs _section_cstart, $3  }
0xc2: {  	[dreg:$0x1] =	wrdreg $0xFFFFFFFF  }
0xc3: {  	_ =	task.clear_ibuf [dreg:s8], $0x2FFFF;
	_ =	strace $0x9FFFFFFF  }
0xc4: {  	(tm) =	ssettm $0x7FFFFFFF  }
0xc5: {  	_ =	shalt  }
tec
execute0_lowered:
.L_overlay_start_1:
0x0: {  	(tag) =	ssettag $0x1  }
0x1: {  	s2 =	rddreg [dreg:$0x0]  }
0x2: {  	s3 =	rddreg [dreg:$0x1]  }
0x3: {  	s8 =	rddreg [dreg:$0x2];
	s1 =	stileid.u32  }
0x4: {  	s4 =	srdreg.scid;
	s0 =	rddreg [dreg:$0x3];
	_ =	strace $0x8000004A  }
0x5: {  	s7 =	simm.s32 $0x1;
	s9 =	simm.s32 $0x1;
	s10 =	simm.s32 $0x3  }
0x6: {  	s13 =	simm.s32 $0x0;
	s5 =	sand.u32 $0x1, s4;
	s6 =	sshll.u32 s1, $0x1  }
0x7: {  	s12 =	simm.s32 $0x0;
	s4 =	simm.s32 $0x1;
	s5 =	sor.u32 s6, s5  }
.Ltmp0:
0x8: {  	[sflag:s4] =	ssyncpa.u1 $0x0;
	p0 =	slt.u32 s5, $0x13;
	(pc) =	sbr.rel .LBB2_1-.Ltmp0, $4  }
0x9: {  	s6 =	simm.s32 $0x2;
	s7 =	simm.s32 @!p0 $0x0;
	p0 =	sne.s32 s5, $0x12  }
0xa: {  	[sflag:s6] =	ssyncpa.u1 $0x0;
	s5 =	smul.u32 $0x190, s5;
	s9 =	simm.s32 @!p0 $0x0  }
0xb: {  	s8 =	sadd.s32 $0xA00, s8;
	[sflag:s10] =	ssyncpa.u1 $0x0;
	s7 =	sadd.s32 s9, s7  }
0xc: {  	vm0 =	vmmov $0xffff;
	s10 =	simm.s32 $0x0;
	s11 =	smov.u32 s5;
	s9 =	sadd.s32 $0x1, s7  }
.LBB2_4:
0xd: {  	v2 =	vnsel vm1, $0x0, v2  }
0xe: {  	vm1 =	vgt.s32 v0, $0x0;
	v2 =	vmin.u32 v2, $0x4E1F  }
0xf: {  	v0 =	vnsel vm1, $0x0, v0  }
0x10: {  	v0 =	vmin.u32 v0, $0x4E1F  }
0x11: {  	[tilespmem:s18], [sflag:$0x1] =	stream.indirect_vreg.gather [hbm4b:s2+s10], $0x1, v1, vm0, $0x4038;
	[tilespmem:$0x640] =	vst v63  }
0x12: {  	(ifvalue) =	ssetifvalue $0x7FFFFFFF  }
0x13: {  	[tilespmem:s15], [sflag:$0x1] =	stream.indirect_vreg.gather [hbm4b:s2+s10], $0x1, v2, vm0, $0x4038;
	[tilespmem:$0x640] =	vst v63  }
0x14: {  	s29 =	sadd.s32 $0x10, s15;
	(ifvalue) =	ssetifvalue $0x7FFFFFFF  }
0x15: {  	[tilespmem:s29], [sflag:$0x1] =	stream.indirect_vreg.gather [hbm4b:s2+s10], $0x1, v0, vm0, $0x4038;
	[tilespmem:$0x640] =	vst v63  }
0x16: {  	_ =	swait.ge [sflag:s4], $0x190  }
0x17: {  	s30 =	sshrl.u32 s13, $0x3;
	[sflag:s4] =	ssyncset.done $0x0  }
0x18: {  	s31 =	sand.u32 $0x7, s13;
	s15 =	sadd.s32 s8, s30;
	[sflag:s4] =	ssyncadd.s32 $0xFFFFFE70  }
0x19: {  	[hbm4b:s15+s31] =	stream.linear.scatter [tilespmem:s14], [sflag:$0x3], $0x190, $0x38;
	[tilespmem:$0x640] =	vst v63  }
.LBB2_5:
0x1a: {  	s15 =	sadd.s32 $0x3200, s11  }
0x1b: {  	p1 =	sgt.s32 s15, $0x4E1F  }
0x1c: {  	s15 =	smov.u32 @p1 s5;
	p1 =	sne.s32 s12, s9  }
.Ltmp1:
0x1d: {  	p0 =	slt.u32 s12, $0x2;
	(pc) =	sbr.rel @!p1 .LBB2_6-.Ltmp1, $4  }
0x1e: {  	s14 =	simm.s32 @!p0 $0x3  }
0x1f: {  	_ =	swait.ge @!p0 [sflag:s14], $0x190  }
0x20: {  	s16 =	sadd.s32 $0x1, s12;
	s13 =	smov.u32 s11;
	[sflag:s14] =	ssyncset.done @!p0 $0x0  }
0x21: {  	s12 =	smov.u32 s16;
	s11 =	smov.u32 s15;
	[sflag:s14] =	ssyncadd.s32 @!p0 $0xFFFFFE70  }
.LBB2_1:
0x22: {  	p0 =	sge.u32 s12, s7  }
0x23: {  	s14 =	sxor.u32 @!p0 $0x1, s12  }
0x24: {  	s14 =	smul.u32 @!p0 $0x640, s14  }
0x25: {  	s31 =	sadd.s32 $0xFFFFFFFF, s12;
	s15 =	sshrl.u32 @!p0 s11, $0x3  }
0x26: {  	s16 =	sand.u32 @!p0 $0x7, s11;
	s15 =	sadd.s32 @!p0 s3, s15;
	s14 =	sshra.s32 @!p0 s14, $0x2  }
0x27: {  	[tilespmem:s14], [sflag:$0x2] =	stream.linear.gather @!p0 [hbm4b:s15+s16], $0x190, $0x38;
	[tilespmem:$0x640] =	vst v63  }
0x28: {  	p0 =	sge.u32 s31, s7  }
.Ltmp2:
0x29: {  	_ = 	snop;
	(pc) =	sbr.rel @p0 .LBB2_5-.Ltmp2, $1  }
0x2a: {  	_ =	sdelay $0x3  }
0x2b: {  	s14 =	sand.u32 $0x1, s12  }
0x2c: {  	_ =	swait.ge [sflag:s6], $0x190;
	p0 =	seq.s32 s14, $0x1;
	s14 =	simm.s32 $0x190  }
0x2d: {  	[sflag:s6] =	ssyncset.done $0x0;
	s14 =	simm.s32 @!p0 $0x0  }
0x2e: {  	[sflag:s6] =	ssyncadd.s32 $0xFFFFFE70;
	(ifvalue) =	ssetifvalue $0x7FFFFFFF;
	v0 =	vld.msk [tilespmem:s14+$0x0 ss:$0x1], $0xffff;
	_ =	sdelay $0x4  }
0x2f: {  	s15 =	sadd.s32 $0x10, s14;
	vm1 =	vgt.s32 v0, $0x0  }
0x30: {  	v2 =	vld.msk [tilespmem:s15+$0x0 ss:$0x1], $0xffff;
	v1 =	vnsel vm1, $0x0, v0  }
0x31: {  	v1 =	vmin.u32 v1, $0x4E1F;
	_ =	sdelay $0x2  }
0x32: {  	s17 =	simm.s32 $0x20;
	s14 =	sadd.s32 $0x320, s14;
	s16 =	sadd.s32 $0x10, s15  }
0x33: {  	s15 =	sadd.s32 $0x10, s14;
	s18 =	smov.u32 s14;
	v0 =	vld.msk [tilespmem:s16+$0x0 ss:$0x1], $0xffff;
	vm1 =	vgt.s32 v2, $0x0;
	(ifvalue) =	ssetifvalue $0x7FFFFFFF  }
.LBB2_3:
0x34: {  	[tilespmem:s18], [sflag:$0x1] =	stream.indirect_vreg.gather [hbm4b:s2+s10], $0x1, v1, vm0, $0x4038;
	[tilespmem:$0x640] =	vst v63  }
0x35: {  	s17 =	sadd.s32 $0x10, s17  }
0x36: {  	v2 =	vnsel vm1, $0x0, v2;
	p0 =	slt.u32 s17, $0x180  }
.Ltmp3:
0x37: {  	s18 =	smov.u32 s15;
	v1 =	vmin.u32 v2, $0x4E1F;
	(pc) =	sbr.rel @p0 .LBB2_3-.Ltmp3, $3  }
0x38: {  	_ =	sdelay $0x1  }
0x39: {  	s16 =	sadd.s32 $0x10, s16  }
0x3a: {  	vm1 =	vgt.s32 v0, $0x0;
	s15 =	sadd.s32 $0x10, s15;
	v2 =	vmov v0;
	(ifvalue) =	ssetifvalue $0x7FFFFFFF;
	v0 =	vld.msk [tilespmem:s16+$0x0 ss:$0x1], $0xffff  }
.Ltmp4:
0x3b: {  	_ = 	snop;
	(pc) =	sbr.rel .LBB2_4-.Ltmp4, $1  }
0x3c: {  	_ =	sdelay $0x3  }
.LBB2_6:
0x3d: {  	_ =	sfence.sel $0x180000  }
0x3e: {  	s2 =	simm.s32 $0x2;
	[bflag:$0x0] =	sbarrier.arrive $0xFFFF  }
0x3f: {  	s30 =	simm.s32 $0x3;
	[sflag:s2] =	ssyncpa.u1 $0x1  }
0x40: {  	s31 =	simm.s32 $0x1;
	[sflag:s30] =	ssyncpa.u1 $0x1  }
0x41: {  	[sflag:s31] =	ssyncpa.u1 $0x1  }
0x42: {  	p0 =	sne.s32 s1, $0x0;
	_ =	strace $0x9000004A  }
0x43: {  	s0 =	sadd.s32 @!p0 $0x100000, s0;
	[bflag:$0x2] =	sbarrier.arrive $0xFFFF  }
0x44: {  	[sflag:s0] =	ssyncadd.tile.s32 @!p0 $0x1;
	_ =	shalt  }
.Lfunc_end2:
_tile_overlayer_lowered:
.L_overlay_start_2:
0x45: {  	(tag) =	ssettag $0x2  }
0x46: {  	s0 =	rddreg [dreg:$0x0];
	s2 =	stileid.u32  }
0x47: {  	s1 =	rddreg [dreg:$0x1];
	p0 =	sne.s32 s2, $0x0  }
0x48: {  	s3 =	rddreg [dreg:$0x2];
	[bflag:$0x3] =	sbarrier.arrive $0xFFFF;
	s2 =	simm.s32 @!p0 $0x1C01  }
0x49: {  	[timem:s3], [sflag:s2] =	dma.local @!p0 [hbm:s0], s1  }
0x4a: {  	s0 =	simm.s32 @!p0 $0x1  }
0x4b: {  	_ =	swait.ge @!p0 [sflag:s0], s1  }
0x4c: {  	s1 =	ssub.s32 @!p0 $0x0, s1;
	[sflag:s0] =	ssyncset.done @!p0 $0x0  }
0x4d: {  	[sflag:s0] =	ssyncadd.s32 @!p0 s1  }
0x4e: {  	[bflag:$0x3] =	sbarrier.arrive $0xFFFF  }
0x4f: {  	_ =	shalt  }

// kernel: gather_offload_async_start
scs
__scs_entry_jumppad:
0x0: {  	(pc) =	sbr.rel $0x88, $3  }
0x1: {  	(tag) =	ssettag $0x0;
	lr =	simm.s32 $0x1  }
0x2: {  	[smem:$0x3F9F] =	sst lr;
	_ =	strace $0xD0000000  }
0x3: {  	_ = 	snop  }
0x4: {  	_ = 	snop  }
0x5: {  	_ = 	snop  }
0x6: {  	_ = 	snop  }
0x7: {  	_ = 	snop  }
__scs_overlays_trampoline_lowered:
0x8: {  	[smem:$0x3FAE] =	sst s0  }
0x9: {  	[smem:$0x3FAF] =	sst s1  }
0xa: {  	[smem:$0x3FB0] =	sst s2  }
0xb: {  	[smem:$0x3FB1] =	sst s3  }
0xc: {  	[smem:$0x3FB2] =	sst s4  }
0xd: {  	[smem:$0x3FB3] =	sst s5  }
0xe: {  	[smem:$0x3FB4] =	sst s6  }
0xf: {  	[smem:$0x3FB5] =	sst s7  }
0x10: {  	[smem:$0x3FB6] =	sst s8  }
0x11: {  	[smem:$0x3FB7] =	sst s9;
	s0 =	simm.s32 @!p0 $0x0  }
0x12: {  	s1 =	sld [smem:$0x3F9D];
	s0 =	simm.s32 @p0 $0x1  }
0x13: {  	[smem:$0x3FB8] =	sst s0;
	s0 =	simm.s32 @!p1 $0x0  }
0x14: {  	s2 =	sld [smem:$0x3F9C];
	s0 =	simm.s32 @p1 $0x1  }
0x15: {  	[smem:$0x3FB9] =	sst s0;
	s0 =	simm.s32 @!p2 $0x0  }
0x16: {  	s3 =	sld [smem:$0x3FDB];
	s0 =	simm.s32 @p2 $0x1  }
0x17: {  	s4 =	simm.s32 $0x1BF5;
	[smem:$0x3FBB] =	sst s0  }
0x18: {  	s0 =	sld [smem:$0x3F9E];
	_ =	swait.ge [sflag:s4], $0x0  }
0x19: {  	s7 =	sld [smem:$0x3F9F]  }
0x1a: {  	s8 =	sadd.s32 $0xFFFFE003, lr  }
0x1b: {  	s9 =	sadd.s32 $0xFFFFFEF7, lr;
	s5 =	simm.s32 $0xFFFFFFFF;
	p2 =	slt.u32 s8, $0xFFFFF086  }
0x1c: {  	p1 =	slt.u32 s9, $0xF7A;
	s5 =	simm.s32 @!p2 $0x0  }
0x1d: {  	s5 =	simm.s32 @p1 $0x1;
	p0 =	seq.s32 s7, s2  }
0x1e: {  	s7 =	smul.u32 @!p0 $0xF7A, s2;
	p2 =	seq.s32 @!p0 s5, $0x0  }
0x1f: {  	s9 =	smul.u32 $0xF7A, s1;
	s8 =	simm.s32 @!p0 $0x1BF5;
	p2 =	por !p2, p0  }
0x20: {  	[sflag:s8] =	ssyncset.s32 @!p0 $0xFFFFF086;
	s6 =	sadd.s32 @!p0 s3, s7;
	s7 =	simm.s32 @!p0 $0x108  }
0x21: {  	s3 =	sadd.s32 s3, s9;
	s6 =	sadd.s32 @!p0 $0x88, s6;
	s7 =	simm.s32 @p2 $0x1082  }
0x22: {  	[simem:s7], [sflag:s8] =	dma.local @!p0 [hbm:s6], $0xF7A  }
0x23: {  	s9 =	sor.u32 $0xD0000000, s2;
	s6 =	simm.s32 $0x108;
	_ =	swait.ge @!p0 [sflag:s8], $0x0  }
0x24: {  	s3 =	sadd.s32 $0x88, s3;
	s6 =	simm.s32 @!p1 $0x1082;
	[sflag:s4] =	ssyncset.s32 $0xFFFFF086  }
0x25: {  	[simem:s6], [sflag:s4] =	dma.local [hbm:s3], $0xF7A  }
0x26: {  	[smem:$0x3F9F] =	sst s1;
	(tag) =	ssettag s2;
	_ =	strace s9  }
0x27: {  	s1 =	sld [smem:$0x3FAF]  }
0x28: {  	s2 =	sld [smem:$0x3FB0]  }
0x29: {  	s4 =	sld [smem:$0x3FB2]  }
0x2a: {  	p0 =	seq.s32 s5, $0x0;
	s5 =	sld [smem:$0x3FB3]  }
0x2b: {  	s6 =	sld [smem:$0x3FB4]  }
0x2c: {  	s7 =	sld [smem:$0x3FB5]  }
0x2d: {  	s3 =	simm.s32 $0x108;
	s8 =	sld [smem:$0x3FB6]  }
0x2e: {  	s3 =	simm.s32 @!p0 $0x1082;
	s9 =	sld [smem:$0x3FB7]  }
0x2f: {  	lr =	sadd.s32 s0, s3;
	s0 =	sld [smem:$0x3FAE]  }
0x30: {  	s3 =	sld [smem:$0x3FB1]  }
0x31: {  	[smem:$0x3FBA] =	sst s10  }
0x32: {  	s10 =	sld [smem:$0x3FB8];
	_ =	sdelay $0x3  }
0x33: {  	p0 =	seq.s32 s10, $0x1;
	s10 =	sld [smem:$0x3FBA];
	_ =	sdelay $0x3  }
0x34: {  	[smem:$0x3FBA] =	sst s10  }
0x35: {  	s10 =	sld [smem:$0x3FB9];
	_ =	sdelay $0x3  }
0x36: {  	p1 =	seq.s32 s10, $0x1;
	s10 =	sld [smem:$0x3FBA];
	_ =	sdelay $0x3  }
0x37: {  	[smem:$0x3FBA] =	sst s10  }
0x38: {  	s10 =	sld [smem:$0x3FBB]  }
0x39: {  	_ = 	snop;
	(pc) =	sbr.ind lr, $3  }
0x3a: {  	_ = 	snop  }
0x3b: {  	_ = 	snop  }
0x3c: {  	p2 =	seq.s32 s10, $0x1;
	s10 =	sld [smem:$0x3FBA]  }
0x3d: {  	_ =	shalt  }
0x3e: {  	_ =	shalt  }
0x3f: {  	_ =	shalt  }
0x40: {  	_ =	shalt  }
0x41: {  	_ =	shalt  }
0x42: {  	_ =	shalt  }
0x43: {  	_ =	shalt  }
0x44: {  	_ =	shalt  }
0x45: {  	_ =	shalt  }
0x46: {  	_ =	shalt  }
0x47: {  	_ =	shalt  }
0x48: {  	_ =	shalt  }
0x49: {  	_ =	shalt  }
0x4a: {  	_ =	shalt  }
0x4b: {  	_ =	shalt  }
0x4c: {  	_ =	shalt  }
0x4d: {  	_ =	shalt  }
0x4e: {  	_ =	shalt  }
0x4f: {  	_ =	shalt  }
0x50: {  	_ =	shalt  }
0x51: {  	_ =	shalt  }
0x52: {  	_ =	shalt  }
0x53: {  	_ =	shalt  }
0x54: {  	_ =	shalt  }
0x55: {  	_ =	shalt  }
0x56: {  	_ =	shalt  }
0x57: {  	_ =	shalt  }
0x58: {  	_ =	shalt  }
0x59: {  	_ =	shalt  }
0x5a: {  	_ =	shalt  }
0x5b: {  	_ =	shalt  }
0x5c: {  	_ =	shalt  }
0x5d: {  	_ =	shalt  }
0x5e: {  	_ =	shalt  }
0x5f: {  	_ =	shalt  }
0x60: {  	_ =	shalt  }
0x61: {  	_ =	shalt  }
0x62: {  	_ =	shalt  }
0x63: {  	_ =	shalt  }
0x64: {  	_ =	shalt  }
0x65: {  	_ =	shalt  }
0x66: {  	_ =	shalt  }
0x67: {  	_ =	shalt  }
0x68: {  	_ =	shalt  }
0x69: {  	_ =	shalt  }
0x6a: {  	_ =	shalt  }
0x6b: {  	_ =	shalt  }
0x6c: {  	_ =	shalt  }
0x6d: {  	_ =	shalt  }
0x6e: {  	_ =	shalt  }
0x6f: {  	_ =	shalt  }
0x70: {  	_ =	shalt  }
0x71: {  	_ =	shalt  }
0x72: {  	_ =	shalt  }
0x73: {  	_ =	shalt  }
0x74: {  	_ =	shalt  }
0x75: {  	_ =	shalt  }
0x76: {  	_ =	shalt  }
0x77: {  	_ =	shalt  }
0x78: {  	_ =	shalt  }
0x79: {  	_ =	shalt  }
0x7a: {  	_ =	shalt  }
0x7b: {  	_ =	shalt  }
0x7c: {  	_ =	shalt  }
0x7d: {  	_ =	shalt  }
0x7e: {  	_ =	shalt  }
0x7f: {  	_ =	shalt  }
0x80: {  	_ =	shalt  }
0x81: {  	_ =	shalt  }
0x82: {  	_ =	shalt  }
0x83: {  	_ =	shalt  }
0x84: {  	_ =	shalt  }
0x85: {  	_ =	shalt  }
0x86: {  	_ =	shalt  }
0x87: {  	_ =	shalt  }
.Lfunc_end0:
.L_simem_size_0:
called_computation_lowered:
.L_overlay_start_0:
0x88: {  	s2 =	sld [smem:$0x3FD9]  }
0x89: {  	s3 =	sld [smem:$0x3FFE];
	_ =	sdelay $0x1  }
0x8a: {  	s1 =	srdreg.scid  }
0x8b: {  	s0 =	sand.u32 $0x1, s1  }
0x8c: {  	s17 =	sshll.u32 s0, $0xA;
	s2 =	sadd.s32 s3, s2  }
0x8d: {  	s2 =	sadd.s32 s2, s17  }
0x8e: {  	[smem:$0x3FC6] =	sst s2  }
0x8f: {  	_ = 	snop  }
0x90: {  	s2 =	sld [smem:$0x3FD0];
	(tm) =	ssettm $0x1  }
0x91: {  	s18 =	sld [smem:$0x3FFB];
	_ =	sdelay $0x3  }
0x92: {  	_ =	strace s18  }
0x93: {  	s3 =	sld [smem:$0x3FFC];
	_ =	sdelay $0x3  }
0x94: {  	_ =	strace s3  }
0x95: {  	s3 =	sld [smem:$0x3FFD];
	_ =	sdelay $0x3  }
0x96: {  	_ =	strace s3  }
0x97: {  	_ =	strace $0x8FFFFFFF  }
0x98: {  	s19 =	sld [smem:$0x3FDB];
	_ =	sdelay $0x1  }
0x99: {  	s4 =	simm.s32 $_scs_section_size  }
0x9a: {  	s5 =	simm.s32 $_size__tile_overlayer_lowered;
	s6 =	simm.s32 $_tile_overlayer_lowered  }
0x9b: {  	s22 =	simm.s32 $0x1BFF;
	s21 =	sshll.u32 s6, $0x1;
	s3 =	sadd.s32 s4, s19  }
0x9c: {  	s7 =	simm.s32 $0x0;
	s20 =	sshll.u32 s5, $0x1;
	s5 =	sadd.s32 s21, s3  }
0x9d: {  	[timem:s7], [sflag:s22] =	dma.local [hbm:s5], s20  }
0x9e: {  	_ =	swait.ge [sflag:s22], s20  }
0x9f: {  	s4 =	ssub.s32 $0x0, s20;
	[sflag:s22] =	ssyncset.done $0x0  }
0xa0: {  	[sflag:s22] =	ssyncadd.s32 s4;
	_ =	sdelay $0x1  }
0xa1: {  	s23 =	simm.s32 $0x1B8B  }
0xa2: {  	_ =	swait.ge [sflag:s23], $0x1  }
0xa3: {  	[sflag:s23] =	ssyncset.done $0x0  }
0xa4: {  	s25 =	simm.s32 $0x1B8E;
	s24 =	sld [smem:$0x3FFE];
	[sflag:s23] =	ssyncadd.s32 $0xFFFFFFFF  }
0xa5: {  	s26 =	simm.s32 $execute0_lowered;
	[smem:$0x3FD2] =	sst s25  }
0xa6: {  	s5 =	sshll.u32 s26, $0x1;
	_ =	strace $0x80000046;
	[dreg:$0x1] =	wrdreg $0xFFFFFFFF  }
0xa7: {  	s28 =	simm.s32 $_size_execute0_lowered;
	s3 =	sadd.s32 s3, s5;
	[dreg:$0x0] =	wrdreg $0x0  }
0xa8: {  	s5 =	sshll.u32 s28, $0x1;
	[dreg:$0x2] =	wrdreg s3  }
0xa9: {  	[dreg:$0x3] =	wrdreg s5  }
0xaa: {  	[dreg:$0x4] =	wrdreg $0xC0  }
0xab: {  	_ =	task [dreg:s7], $0x5FFFF  }
0xac: {  	[dreg:$0x1] =	wrdreg $0xFFFFFFFF  }
0xad: {  	[dreg:$0x0] =	wrdreg $0x60  }
0xae: {  	[dreg:$0x2] =	wrdreg s24  }
0xaf: {  	[dreg:$0x3] =	wrdreg s2  }
0xb0: {  	[dreg:$0x4] =	wrdreg $0x9  }
0xb1: {  	_ =	task.clear_ibuf [dreg:s7], $0x5FFFF;
	_ =	strace $0x90000046  }
0xb2: {  	s29 =	simm.s32 $0x9;
	_ =	strace $0x80000048  }
0xb3: {  	_ =	swait.ge [sflag:s29], $0x1  }
0xb4: {  	[sflag:s29] =	ssyncadd.s32 $0xFFFFFFFF  }
0xb5: {  	_ =	strace $0x90000048  }
0xb6: {  	_ =	sfence  }
0xb7: {  	s30 =	sld [smem:$0x0];
	_ =	sdelay $0x2  }
0xb8: {  	s31 =	sshll.u32 s1, $0xD;
	s1 =	sshrl.u32 s1, $0x2  }
0xb9: {  	s3 =	sand.u32 $0x4000, s31;
	s1 =	sadd.s32 s1, s30  }
0xba: {  	s0 =	sor.u32 s3, s0;
	s1 =	sshll.u32 s1, $0x11  }
0xbb: {  	s0 =	sor.u32 s1, s0  }
0xbc: {  	s0 =	sadd.s32 $0x8F2B, s0  }
0xbd: {  	[sflag:s0] =	ssyncadd.remote.s32 $0x1  }
0xbe: {  	_ =	sfence.sel $0xFFFF  }
0xbf: {  	[dreg:$0x0] =	wrdreg $0xFFFFFFFF;
	(pc) =	sbr.abs _section_cstart, $3  }
0xc0: {  	[dreg:$0x1] =	wrdreg $0xFFFFFFFF  }
0xc1: {  	_ =	task.clear_ibuf [dreg:s7], $0x2FFFF;
	_ =	strace $0x9FFFFFFF  }
0xc2: {  	(tm) =	ssettm $0x7FFFFFFF  }
0xc3: {  	_ =	shalt  }
tec
execute0_lowered:
.L_overlay_start_1:
0x0: {  	(tag) =	ssettag $0x1  }
0x1: {  	s0 =	srdreg.scid  }
0x2: {  	s1 =	sshll.u32 s0, $0x4  }
0x3: {  	s0 =	stileid.u32;
	s1 =	sand.u32 $0x10, s1  }
0x4: {  	s2 =	sor.u32 s0, s1  }
0x5: {  	s1 =	smin.u32 s2, $0x12  }
0x6: {  	s1 =	sadd.s32 s2, s1  }
0x7: {  	p0 =	slt.u32 s2, $0x12;
	s2 =	simm.s32 $0x320;
	s1 =	smul.u32 $0x190, s1  }
0x8: {  	s2 =	simm.s32 @!p0 $0x190  }
0x9: {  	s2 =	sadd.s32 s2, s1  }
0xa: {  	s3 =	smin.u32 s2, $0x4E20  }
0xb: {  	s7 =	ssub.s32 s3, s1  }
0xc: {  	p0 =	sgt.s32 s7, $0x0  }
0xd: {  	s7 =	simm.s32 @!p0 $0x0  }
0xe: {  	s31 =	sand.u32 $0xFFF0, s7  }
0xf: {  	s2 =	sshrl.u32 s31, $0x4  }
0x10: {  	s9 =	rddreg [dreg:$0x0];
	s2 =	smul.u32 $0xA3E, s2  }
0x11: {  	s4 =	rddreg [dreg:$0x1];
	s6 =	simm.s32 $0x1  }
0x12: {  	s11 =	simm.s32 $0x3;
	s13 =	simm.s32 $0x0;
	s8 =	sshrl.u32 s2, $0x10  }
0x13: {  	s12 =	simm.s32 $0x0;
	s5 =	sadd.s32 $0xA00, s9;
	s10 =	smul.u32 $0x190, s8  }
.Ltmp0:
0x14: {  	s9 =	sadd.s32 $0x4EC00, s9;
	s2 =	rddreg [dreg:$0x2];
	(pc) =	sbr.rel .LBB2_1-.Ltmp0, $4  }
0x15: {  	_ =	strace $0x80000047;
	p0 =	sne.s32 s7, s10;
	s10 =	simm.s32 $0x1  }
0x16: {  	[sflag:s6] =	ssyncpa.u1 $0x0;
	s7 =	simm.s32 $0x2;
	s10 =	simm.s32 @!p0 $0x0  }
0x17: {  	[sflag:s7] =	ssyncpa.u1 $0x0;
	p0 =	por $0x0, $0x0;
	s8 =	sadd.s32 s8, s10  }
0x18: {  	vm0 =	vmmov $0xff;
	vm1 =	vcmask $0x3F20;
	[sflag:s11] =	ssyncpa.u1 $0x0;
	s11 =	smov.u32 s1;
	s10 =	sadd.s32 $0x1, s8  }
.LBB2_6:
0x19: {  	[hbm:s17] =	stream.linear.scatter [tilespmem:s14], [sflag:$0x3], $0x400, $0x38;
	[tilespmem:$0x19320] =	vst v63  }
.LBB2_7:
0x1a: {  	s13 =	sadd.s32 $0x190, s11  }
0x1b: {  	s15 =	smov.u32 s1;
	p2 =	slt.s32 s13, s3  }
0x1c: {  	s15 =	smov.u32 @p2 s13;
	p2 =	sne.s32 s12, s10  }
.Ltmp1:
0x1d: {  	p1 =	slt.u32 s12, $0x2;
	(pc) =	sbr.rel @!p2 .LBB2_8-.Ltmp1, $4  }
0x1e: {  	s14 =	simm.s32 @!p1 $0x3  }
0x1f: {  	s16 =	sadd.s32 $0x1, s12;
	_ =	swait.ge @!p1 [sflag:s14], $0xC800  }
0x20: {  	p0 =	por !p0, !p0;
	s13 =	smov.u32 s11;
	[sflag:s14] =	ssyncset.done @!p1 $0x0  }
0x21: {  	s12 =	smov.u32 s16;
	s11 =	smov.u32 s15;
	[sflag:s14] =	ssyncadd.s32 @!p1 $0xFFFF3800  }
.LBB2_1:
0x22: {  	p1 =	sge.u32 s12, s8  }
0x23: {  	s14 =	sxor.u32 @!p1 $0xFFFFFFFF, s12  }
0x24: {  	s14 =	sand.u32 @!p1 $0x1, s14  }
0x25: {  	s14 =	smul.u32 @!p1 $0x640, s14  }
0x26: {  	s31 =	sadd.s32 $0xFFFFFFFF, s12;
	s15 =	sshrl.u32 @!p1 s11, $0x3  }
0x27: {  	s16 =	sand.u32 @!p1 $0x7, s11;
	s15 =	sadd.s32 @!p1 s4, s15;
	s14 =	sshrl.u32 @!p1 s14, $0x2  }
0x28: {  	[tilespmem:s14], [sflag:$0x2] =	stream.linear.gather @!p1 [hbm4b:s15+s16], $0x190, $0x38;
	[tilespmem:$0x19320] =	vst v63  }
0x29: {  	p1 =	sge.u32 s31, s8  }
.Ltmp2:
0x2a: {  	_ = 	snop;
	(pc) =	sbr.rel @p1 .LBB2_7-.Ltmp2, $1  }
0x2b: {  	_ =	sdelay $0x3  }
0x2c: {  	s14 =	simm.s32 $0x1  }
0x2d: {  	s14 =	simm.s32 @!p0 $0x0  }
0x2e: {  	s15 =	smul.u32 $0x640, s14  }
0x2f: {  	_ =	swait.ge [sflag:s7], $0x190  }
0x30: {  	[sflag:s7] =	ssyncset.done $0x0;
	s16 =	sshrl.u32 s15, $0x2  }
0x31: {  	[sflag:s7] =	ssyncadd.s32 $0xFFFFFE70;
	s15 =	sadd.s32 $0x0, s16  }
0x32: {  	v0 =	vld.msk [tilespmem:s15+$0x0 ss:$0x1], $0xffff;
	_ =	sdelay $0x4  }
0x33: {  	vm2 =	vgt.s32 v0, $0x0  }
0x34: {  	v0 =	vnsel vm2, $0x0, v0  }
0x35: {  	v0 =	vmin.u32 v0, $0x4E1F  }
0x36: {  	v0 =	vshll.u32 v0, $0x4  }
0x37: {  	s14 =	smul.u32 $0x32000, s14;
	_ =	sdelay $0x1  }
0x38: {  	s14 =	sshrl.u32 s14, $0x2  }
0x39: {  	s14 =	sor.u32 $0x320, s14  }
0x3a: {  	[tilespmem:s14], [sflag:$0x1] =	stream.indirect_vreg.gather [hbm:s5], $0x80, v0, vm0, $0x38;
	[tilespmem:$0x19320] =	vst v63  }
0x3b: {  	s17 =	sadd.s32 $0x10, s16;
	s15 =	sadd.s32 $0x400, s14  }
0x3c: {  	[tilespmem:s15], [sflag:$0x1] =	stream.indirect_vreg.gather [hbm:s5], $0x80, v0, vm1, $0x38;
	[tilespmem:$0x19320] =	vst v63  }
0x3d: {  	s18 =	simm.s32 $0x80;
	v0 =	vld.msk [tilespmem:s17+$0x0 ss:$0x1], $0xffff;
	s17 =	smov.u32 s14  }
.LBB2_3:
0x3e: {  	p1 =	sne.s32 s18, $0x600;
	_ =	sdelay $0x4  }
0x3f: {  	vm2 =	vgt.s32 v0, $0x0  }
0x40: {  	v0 =	vnsel vm2, $0x0, v0  }
0x41: {  	v0 =	vmin.u32 v0, $0x4E1F  }
0x42: {  	v0 =	vshll.u32 v0, $0x4;
	_ =	sdelay $0x3  }
.Ltmp3:
0x43: {  	s19 =	sshra.s32 s18, $0x2;
	s17 =	sadd.s32 $0x800, s17;
	(pc) =	sbr.rel @p1 .LBB2_3-.Ltmp3, $4  }
0x44: {  	[tilespmem:s17], [sflag:$0x1] =	stream.indirect_vreg.gather [hbm:s5], $0x80, v0, vm0, $0x38;
	[tilespmem:$0x19320] =	vst v63  }
0x45: {  	s19 =	sadd.s32 s19, s16;
	s20 =	sadd.s32 $0x400, s17  }
0x46: {  	[tilespmem:s20], [sflag:$0x1] =	stream.indirect_vreg.gather [hbm:s5], $0x80, v0, vm1, $0x38;
	[tilespmem:$0x19320] =	vst v63  }
0x47: {  	s18 =	sadd.s32 $0x40, s18;
	v0 =	vld.msk [tilespmem:s19+$0x0 ss:$0x1], $0xffff  }
0x48: {  	_ =	sdelay $0x3  }
0x49: {  	vm2 =	vgt.s32 v0, $0x0  }
0x4a: {  	v0 =	vnsel vm2, $0x0, v0  }
0x4b: {  	v0 =	vmin.u32 v0, $0x4E1F  }
0x4c: {  	v0 =	vshll.u32 v0, $0x4;
	_ =	sdelay $0x3  }
0x4d: {  	s16 =	sadd.s32 $0x800, s17  }
0x4e: {  	[tilespmem:s16], [sflag:$0x1] =	stream.indirect_vreg.gather [hbm:s5], $0x80, v0, vm0, $0x38;
	[tilespmem:$0x19320] =	vst v63  }
0x4f: {  	s16 =	sadd.s32 $0x400, s16  }
0x50: {  	[tilespmem:s16], [sflag:$0x1] =	stream.indirect_vreg.gather [hbm:s5], $0x80, v0, vm1, $0x38;
	[tilespmem:$0x19320] =	vst v63  }
0x51: {  	s13 =	sshll.u32 s13, $0x4;
	_ =	swait.ge [sflag:s6], $0xC800  }
0x52: {  	s13 =	sadd.s32 s13, s9;
	[sflag:s6] =	ssyncset.done $0x0  }
0x53: {  	s17 =	sadd.s32 $0x0, s13;
	s16 =	simm.s32 $0x80;
	[sflag:s6] =	ssyncadd.s32 $0xFFFF3800  }
.LBB2_5:
0x54: {  	[hbm:s17] =	stream.linear.scatter [tilespmem:s14], [sflag:$0x3], $0x400, $0x38;
	[tilespmem:$0x19320] =	vst v63  }
0x55: {  	s17 =	smov.u32 s16;
	s14 =	smov.u32 s15;
	p1 =	sne.s32 s16, $0x1880  }
.Ltmp4:
0x56: {  	s16 =	sadd.s32 $0x80, s16;
	(pc) =	sbr.rel @p1 .LBB2_5-.Ltmp4, $2  }
0x57: {  	_ =	sdelay $0x2  }
0x58: {  	s15 =	sadd.s32 $0x400, s15;
	s17 =	sadd.s32 s17, s13  }
.Ltmp5:
0x59: {  	_ = 	snop;
	(pc) =	sbr.rel .LBB2_6-.Ltmp5, $1  }
0x5a: {  	_ =	sdelay $0x3  }
.LBB2_8:
0x5b: {  	_ =	sfence.sel $0x180000  }
0x5c: {  	s1 =	simm.s32 $0x2;
	[bflag:$0x0] =	sbarrier.arrive $0xFFFF  }
0x5d: {  	s30 =	simm.s32 $0x3;
	[sflag:s1] =	ssyncpa.u1 $0x1  }
0x5e: {  	s31 =	simm.s32 $0x1;
	[sflag:s30] =	ssyncpa.u1 $0x1  }
0x5f: {  	[sflag:s31] =	ssyncpa.u1 $0x1  }
0x60: {  	p0 =	sne.s32 s0, $0x0;
	_ =	strace $0x90000047  }
0x61: {  	s0 =	sadd.s32 @!p0 $0x100000, s2;
	[bflag:$0x2] =	sbarrier.arrive $0xFFFF  }
0x62: {  	[sflag:s0] =	ssyncadd.tile.s32 @!p0 $0x1;
	_ =	shalt  }
.Lfunc_end2:
_tile_overlayer_lowered:
.L_overlay_start_2:
0x63: {  	(tag) =	ssettag $0x2  }
0x64: {  	s0 =	rddreg [dreg:$0x0];
	s2 =	stileid.u32  }
0x65: {  	s1 =	rddreg [dreg:$0x1];
	p0 =	sne.s32 s2, $0x0  }
0x66: {  	s3 =	rddreg [dreg:$0x2];
	[bflag:$0x3] =	sbarrier.arrive $0xFFFF;
	s2 =	simm.s32 @!p0 $0x1C01  }
0x67: {  	[timem:s3], [sflag:s2] =	dma.local @!p0 [hbm:s0], s1  }
0x68: {  	s0 =	simm.s32 @!p0 $0x1  }
0x69: {  	_ =	swait.ge @!p0 [sflag:s0], s1  }
0x6a: {  	s1 =	ssub.s32 @!p0 $0x0, s1;
	[sflag:s0] =	ssyncset.done @!p0 $0x0  }
0x6b: {  	[sflag:s0] =	ssyncadd.s32 @!p0 s1  }
0x6c: {  	[bflag:$0x3] =	sbarrier.arrive $0xFFFF  }
0x6d: {  	_ =	shalt  }

</sc_bundles>
